<compile_context>
chip_gen: v7x
topology: tpu7x:2x2x1
jax: 0.10.2.dev20260603
libtpu: 0.0.44.dev20260713+nightly
codegen_flags: <defaults>
</compile_context>

<pallas_src>
import functools

import jax
import jax.numpy as jnp
from jax import lax
from jax.experimental import pallas as pl
from jax.experimental.pallas import tpu as pltpu
from jax.experimental.pallas import tpu_sc as plsc

NC = 2
NS = 16
L = 16
CH = 128
SB = 50


def _sc_scatter(xT, src2, dst2, val2, zinit, *, cpt, m_pad):
    rpt = m_pad // NS
    nblk = cpt // SB
    assert cpt % SB == 0 and SB % 2 == 0

    mesh = plsc.VectorSubcoreMesh(core_axis_name="c", subcore_axis_name="s")

    @functools.partial(
        pl.kernel,
        out_type=jax.ShapeDtypeStruct((NC, m_pad, L), jnp.float32),
        mesh=mesh,
        scratch_types=[
            pltpu.VMEM_SHARED((m_pad, L), jnp.float32),
            pltpu.VMEM((2, SB, CH), jnp.int32),
            pltpu.VMEM((2, SB, CH), jnp.int32),
            pltpu.VMEM((2, SB, CH), jnp.float32),
            pltpu.VMEM((2, CH, L), jnp.float32),
            pltpu.SemaphoreType.DMA,
            pltpu.SemaphoreType.DMA,
            pltpu.SemaphoreType.DMA,
        ],
        compiler_params=pltpu.CompilerParams(use_tc_tiling_on_sc=False),
    )
    def body(xT_h, src_h, dst_h, val_h, zin_h, part_h,
             acc, sgs, sgd, sgv, xr, stsem, gsem, ssem):
        c = lax.axis_index("c")
        s = lax.axis_index("s")
        wid = s * NC + c

        pltpu.sync_copy(zin_h.at[pl.ds(s * rpt, rpt)], acc.at[pl.ds(s * rpt, rpt)])
        plsc.subcore_barrier()

        base = wid * cpt

        def stage(blk, op):
            slot = lax.rem(blk, 2)
            row0 = base + blk * SB
            op(src_h.at[pl.ds(row0, SB)], sgs.at[slot], stsem)
            op(dst_h.at[pl.ds(row0, SB)], sgd.at[slot], stsem)
            op(val_h.at[pl.ds(row0, SB)], sgv.at[slot], stsem)

        stage_issue = lambda blk: stage(blk, pltpu.async_copy)
        stage_wait = lambda blk: stage(
            blk, lambda a, b, m: pltpu.make_async_copy(a, b, m).wait())

        stage_issue(0)

        def blk_body(blk, _):
            slot = lax.rem(blk, 2)
            stage_wait(blk)

            @pl.when(blk + 1 < nblk)
            def _():
                stage_issue(blk + 1)

            def g_copy(j):
                return xT_h.at[sgs.at[slot, j]], xr.at[lax.rem(j, 2)], gsem

            def s_copy(j):
                return xr.at[lax.rem(j, 2)], acc.at[sgd.at[slot, j]], ssem

            pltpu.async_copy(*g_copy(0))

            def chunk(j, _):
                pltpu.make_async_copy(*g_copy(j)).wait()

                @pl.when(j >= 1)
                def _():
                    pltpu.make_async_copy(*s_copy(j - 1)).wait()

                @pl.when(j + 1 < SB)
                def _():
                    pltpu.async_copy(*g_copy(j + 1))

                p = lax.rem(j, 2)

                def mul(g, _):
                    gb = g * L
                    vv = sgv[slot, j, pl.ds(gb, L)]
                    for k in range(L):
                        xr[p, gb + k, :] = vv[k] * xr[p, gb + k, :]
                    return 0

                lax.fori_loop(0, CH // L, mul, 0)
                pltpu.async_copy(*s_copy(j), add=True)
                return 0

            lax.fori_loop(0, SB, chunk, 0)
            pltpu.make_async_copy(*s_copy(SB - 1)).wait()
            return 0

        lax.fori_loop(0, nblk, blk_body, 0)
        plsc.subcore_barrier()

        pltpu.sync_copy(acc.at[pl.ds(s * rpt, rpt)],
                        part_h.at[c, pl.ds(s * rpt, rpt)])

    return body(xT, src2, dst2, val2, zinit)


def _tc_combine(p0, p1, b16):
    r = p0.shape[0]
    br = r // 2
    assert r % br == 0 and br % 8 == 0

    def body(a_ref, b_ref, c_ref, o_ref):
        o_ref[...] = a_ref[...] + b_ref[...] + c_ref[...]

    return pl.pallas_call(
        body,
        out_shape=jax.ShapeDtypeStruct((r, 128), jnp.float32),
        grid=(r // br,),
        in_specs=[pl.BlockSpec((br, 128), lambda i: (i, 0))] * 3,
        out_specs=pl.BlockSpec((br, 128), lambda i: (i, 0)),
    )(p0, p1, b16)


def kernel(x, edge_index, values, bias):
    B, N, _ = x.shape
    M = bias.shape[0]
    E = values.shape[0]

    cpt = -(-E // (NC * NS * CH))
    cpt = -(-cpt // SB) * SB
    e_pad = NC * NS * CH * cpt
    m_pad = -(-M // (NS * 8)) * (NS * 8)

    xT = x.reshape(B, N).T

    src = edge_index[0]
    dst = edge_index[1]
    pad = e_pad - E
    fill = jnp.arange(pad, dtype=jnp.int32)
    src_p = jnp.concatenate([src, fill % N])
    dst_p = jnp.concatenate([dst, fill % M])
    val_p = jnp.concatenate([values, jnp.zeros((pad,), jnp.float32)])
    src2 = src_p.reshape(-1, CH)
    dst2 = dst_p.reshape(-1, CH)
    val2 = val_p.reshape(-1, CH)
    zinit = jnp.zeros((m_pad, L), jnp.float32)

    part = _sc_scatter(xT, src2, dst2, val2, zinit, cpt=cpt, m_pad=m_pad)

    b16 = jnp.pad(jnp.broadcast_to(bias.reshape(M, 1), (M, L)),
                  ((0, m_pad - M), (0, 0)))
    out16 = _tc_combine(part[0].reshape(-1, 128), part[1].reshape(-1, 128),
                        b16.reshape(-1, 128))
    out16 = out16.reshape(m_pad, L)[:M]
    return out16.T.reshape(B, M, 1)

# --- scband reference (transcript-rebuilt; emitter-appended) ---
"""Pipeline reference for scband-sparse-linear-81896436400576 (READ-ONLY COPY).

The authoritative reference and input builder live on the scoring server;
editing this copy changes nothing except your own understanding.
"""

import jax, jax.numpy as jnp
import numpy as np

N = 50000
M = 50000
E = 1600000
B = 16


def setup_inputs(seed: int = 0) -> dict:
    key = jax.random.key(seed)
    k1, k2, k3 = jax.random.split(key, 3)
    # COO indices for the sparse N x M weight matrix (src row, dst col)
    edge_index = jax.random.randint(k1, (2, E), 0, N, dtype=jnp.int32)
    src = edge_index[0]
    dst = edge_index[1]
    # kaiming init: std = (2 / fan_in)**0.5 per edge; values = randn * std**2
    deg_in = jax.ops.segment_sum(jnp.ones((E,), dtype=jnp.float32), dst, num_segments=M)
    n_in = deg_in[dst]
    std = jnp.sqrt(2.0 / n_in)
    values = jax.random.normal(k2, (E,), dtype=jnp.float32) * (std ** 2)
    bias = jnp.zeros((M, 1), dtype=jnp.float32)
    x = jax.random.normal(k3, (B, N, 1), dtype=jnp.float32)
    return {"x": x, "edge_index": edge_index, "values": values, "bias": bias}


def reference(x, edge_index, values, bias):
    # Faithful translation of SparseLinear.forward:
    # batched bipartite graphs handled via node-index increments (pyg style).
    Bsz = x.shape[0]
    src = edge_index[0]
    dst = edge_index[1]
    xf = x.reshape(Bsz, -1)                      # (B, N)
    # edge_weight repeated per batch; message = edge_weight * x_j
    contrib = values[None, :] * jnp.take(xf, src, axis=1)   # (B, E)
    # batched dst indices: dst + b * M
    batched_dst = dst[None, :] + (jnp.arange(Bsz, dtype=edge_index.dtype)[:, None] * M)
    out_flat = jax.ops.segment_sum(contrib.reshape(-1), batched_dst.reshape(-1), num_segments=Bsz * M)
    out = out_flat.reshape(Bsz, M, 1)
    # bias gathered per batched node (bias_idx = arange(M).repeat(B)) == broadcast add
    out = out + bias[None, :, :]
    return out

if __name__ == "__main__":
    import jax
    _d = setup_inputs()
    print(jax.jit(kernel)(*tuple(_d.values())))

</pallas_src>

<mosaic_0001>
#map = affine_map<(d0, d1) -> (0, 0)>
#map1 = affine_map<(d0, d1) -> (0, 0, 0)>
module attributes {stable_mosaic.version = 14 : i64} {
  func.func @body(%arg0: i32, %arg1: i32, %arg2: memref<50000x16xf32, #tpu.memory_space<hbm>>, %arg3: memref<12800x128xi32, #tpu.memory_space<hbm>>, %arg4: memref<12800x128xi32, #tpu.memory_space<hbm>>, %arg5: memref<12800x128xf32, #tpu.memory_space<hbm>>, %arg6: memref<50048x16xf32, #tpu.memory_space<hbm>>, %arg7: memref<2x50048x16xf32, #tpu.memory_space<hbm>>, %arg8: memref<50048x16xf32, #tpu.memory_space<vmem_shared>>, %arg9: memref<2x50x128xi32, #tpu.memory_space<vmem>>, %arg10: memref<2x50x128xi32, #tpu.memory_space<vmem>>, %arg11: memref<2x50x128xf32, #tpu.memory_space<vmem>>, %arg12: memref<2x128x16xf32, #tpu.memory_space<vmem>>, %arg13: memref<!tpu.dma_semaphore, #tpu.memory_space<semaphore_mem>>, %arg14: memref<!tpu.dma_semaphore, #tpu.memory_space<semaphore_mem>>, %arg15: memref<!tpu.dma_semaphore, #tpu.memory_space<semaphore_mem>>) attributes {dimension_semantics = [#tpu.dimension_semantics<core_parallel>, #tpu.dimension_semantics<subcore_parallel>], iteration_bounds = array<i64: 2, 16>, scalar_prefetch = 0 : i64, scratch_operands = 8 : i64, tpu.core_type = #tpu.core_type<sc_vector_subcore>, window_params = [{transform_indices = #map}, {transform_indices = #map}, {transform_indices = #map}, {transform_indices = #map}, {transform_indices = #map}, {transform_indices = #map1}]} {
    %mul3A = arith.constant 2 : i32
    %mul3A_0 = arith.muli %arg1, %mul3A : i32
    %add3A = arith.addi %mul3A_0, %arg0 : i32
    %mul3A_1 = arith.constant 3128 : i32
    %mul3A_2 = arith.muli %arg1, %mul3A_1 : i32
    %mul3A_3 = arith.constant 3128 : i32
    %mul3A_4 = arith.muli %arg1, %mul3A_3 : i32
    "tpu.region"() ({
      %run_scoped3A = tpu.sem_alloc : memref<!tpu.dma_semaphore, #tpu.memory_space<semaphore_mem>>
      %dma_start3A_57 = arith.constant 0 : i32
      %dma_start3A_58 = tpu.memref_slice %arg8[%mul3A_4, %dma_start3A_57] : memref<50048x16xf32, #tpu.memory_space<vmem_shared>> -> memref<3128x16xf32, #tpu.memory_space<vmem_shared>>
      %dma_start3A_59 = arith.constant 0 : i32
      %dma_start3A_60 = tpu.memref_slice %arg6[%mul3A_2, %dma_start3A_59] : memref<50048x16xf32, #tpu.memory_space<hbm>> -> memref<3128x16xf32, #tpu.memory_space<hbm>>
      tpu.enqueue_dma source(%dma_start3A_60 : memref<3128x16xf32, #tpu.memory_space<hbm>>) target(%dma_start3A_58 : memref<3128x16xf32, #tpu.memory_space<vmem_shared>>) target_semaphore(%run_scoped3A : memref<!tpu.dma_semaphore, #tpu.memory_space<semaphore_mem>>)
      %dma_wait3A = arith.constant 0 : i32
      %dma_wait3A_61 = tpu.memref_slice %arg8[%mul3A_4, %dma_wait3A] : memref<50048x16xf32, #tpu.memory_space<vmem_shared>> -> memref<3128x16xf32, #tpu.memory_space<vmem_shared>>
      %dma_wait3A_62 = arith.constant 0 : i32
      %dma_wait3A_63 = tpu.memref_slice %arg6[%mul3A_2, %dma_wait3A_62] : memref<50048x16xf32, #tpu.memory_space<hbm>> -> memref<3128x16xf32, #tpu.memory_space<hbm>>
      tpu.wait_dma2 semaphore(%run_scoped3A : memref<!tpu.dma_semaphore, #tpu.memory_space<semaphore_mem>>) src(%dma_wait3A_63 : memref<3128x16xf32, #tpu.memory_space<hbm>>) dst(%dma_wait3A_61 : memref<3128x16xf32, #tpu.memory_space<vmem_shared>>)
      tpu.yield
    }) : () -> ()
    %barrier3A = arith.constant 0 : index
    tpu.barrier barrier_id(%barrier3A)
    %mul3A_5 = arith.constant 400 : i32
    %mul3A_6 = arith.muli %add3A, %mul3A_5 : i32
    %rem3A = arith.constant 0 : i32
    %rem3A_7 = arith.constant 2 : i32
    %rem3A_8 = arith.remsi %rem3A, %rem3A_7 : i32
    %add3A_9 = arith.constant 0 : i32
    %add3A_10 = arith.addi %mul3A_6, %add3A_9 : i32
    %dma_start3A = arith.constant 0 : i32
    %dma_start3A_11 = arith.constant 0 : i32
    %dma_start3A_12 = tpu.memref_slice %arg9[%rem3A_8, %dma_start3A, %dma_start3A_11] : memref<2x50x128xi32, #tpu.memory_space<vmem>> -> memref<1x50x128xi32, #tpu.memory_space<vmem>>
    %dma_start3A_13 = tpu.memref_squeeze %dma_start3A_12 : memref<1x50x128xi32, #tpu.memory_space<vmem>> -> memref<50x128xi32, #tpu.memory_space<vmem>>
    %dma_start3A_14 = arith.constant 0 : i32
    %dma_start3A_15 = tpu.memref_slice %arg3[%add3A_10, %dma_start3A_14] : memref<12800x128xi32, #tpu.memory_space<hbm>> -> memref<50x128xi32, #tpu.memory_space<hbm>>
    %dma_start3A_16 = arith.constant 0 : i32
    %dma_start3A_17 = arith.constant 0 : i32
    %dma_start3A_18 = tpu.memref_slice %arg9[%rem3A_8, %dma_start3A_16, %dma_start3A_17] : memref<2x50x128xi32, #tpu.memory_space<vmem>> -> memref<1x50x128xi32, #tpu.memory_space<vmem>>
    %dma_start3A_19 = tpu.memref_squeeze %dma_start3A_18 : memref<1x50x128xi32, #tpu.memory_space<vmem>> -> memref<50x128xi32, #tpu.memory_space<vmem>>
    %dma_start3A_20 = arith.constant 0 : i32
    %dma_start3A_21 = tpu.memref_slice %arg3[%add3A_10, %dma_start3A_20] : memref<12800x128xi32, #tpu.memory_space<hbm>> -> memref<50x128xi32, #tpu.memory_space<hbm>>
    tpu.enqueue_dma source(%dma_start3A_21 : memref<50x128xi32, #tpu.memory_space<hbm>>) target(%dma_start3A_19 : memref<50x128xi32, #tpu.memory_space<vmem>>) target_semaphore(%arg13 : memref<!tpu.dma_semaphore, #tpu.memory_space<semaphore_mem>>)
    %dma_start3A_22 = arith.constant 0 : i32
    %dma_start3A_23 = arith.constant 0 : i32
    %dma_start3A_24 = tpu.memref_slice %arg10[%rem3A_8, %dma_start3A_22, %dma_start3A_23] : memref<2x50x128xi32, #tpu.memory_space<vmem>> -> memref<1x50x128xi32, #tpu.memory_space<vmem>>
    %dma_start3A_25 = tpu.memref_squeeze %dma_start3A_24 : memref<1x50x128xi32, #tpu.memory_space<vmem>> -> memref<50x128xi32, #tpu.memory_space<vmem>>
    %dma_start3A_26 = arith.constant 0 : i32
    %dma_start3A_27 = tpu.memref_slice %arg4[%add3A_10, %dma_start3A_26] : memref<12800x128xi32, #tpu.memory_space<hbm>> -> memref<50x128xi32, #tpu.memory_space<hbm>>
    %dma_start3A_28 = arith.constant 0 : i32
    %dma_start3A_29 = arith.constant 0 : i32
    %dma_start3A_30 = tpu.memref_slice %arg10[%rem3A_8, %dma_start3A_28, %dma_start3A_29] : memref<2x50x128xi32, #tpu.memory_space<vmem>> -> memref<1x50x128xi32, #tpu.memory_space<vmem>>
    %dma_start3A_31 = tpu.memref_squeeze %dma_start3A_30 : memref<1x50x128xi32, #tpu.memory_space<vmem>> -> memref<50x128xi32, #tpu.memory_space<vmem>>
    %dma_start3A_32 = arith.constant 0 : i32
    %dma_start3A_33 = tpu.memref_slice %arg4[%add3A_10, %dma_start3A_32] : memref<12800x128xi32, #tpu.memory_space<hbm>> -> memref<50x128xi32, #tpu.memory_space<hbm>>
    tpu.enqueue_dma source(%dma_start3A_33 : memref<50x128xi32, #tpu.memory_space<hbm>>) target(%dma_start3A_31 : memref<50x128xi32, #tpu.memory_space<vmem>>) target_semaphore(%arg13 : memref<!tpu.dma_semaphore, #tpu.memory_space<semaphore_mem>>)
    %dma_start3A_34 = arith.constant 0 : i32
    %dma_start3A_35 = arith.constant 0 : i32
    %dma_start3A_36 = tpu.memref_slice %arg11[%rem3A_8, %dma_start3A_34, %dma_start3A_35] : memref<2x50x128xf32, #tpu.memory_space<vmem>> -> memref<1x50x128xf32, #tpu.memory_space<vmem>>
    %dma_start3A_37 = tpu.memref_squeeze %dma_start3A_36 : memref<1x50x128xf32, #tpu.memory_space<vmem>> -> memref<50x128xf32, #tpu.memory_space<vmem>>
    %dma_start3A_38 = arith.constant 0 : i32
    %dma_start3A_39 = tpu.memref_slice %arg5[%add3A_10, %dma_start3A_38] : memref<12800x128xf32, #tpu.memory_space<hbm>> -> memref<50x128xf32, #tpu.memory_space<hbm>>
    %dma_start3A_40 = arith.constant 0 : i32
    %dma_start3A_41 = arith.constant 0 : i32
    %dma_start3A_42 = tpu.memref_slice %arg11[%rem3A_8, %dma_start3A_40, %dma_start3A_41] : memref<2x50x128xf32, #tpu.memory_space<vmem>> -> memref<1x50x128xf32, #tpu.memory_space<vmem>>
    %dma_start3A_43 = tpu.memref_squeeze %dma_start3A_42 : memref<1x50x128xf32, #tpu.memory_space<vmem>> -> memref<50x128xf32, #tpu.memory_space<vmem>>
    %dma_start3A_44 = arith.constant 0 : i32
    %dma_start3A_45 = tpu.memref_slice %arg5[%add3A_10, %dma_start3A_44] : memref<12800x128xf32, #tpu.memory_space<hbm>> -> memref<50x128xf32, #tpu.memory_space<hbm>>
    tpu.enqueue_dma source(%dma_start3A_45 : memref<50x128xf32, #tpu.memory_space<hbm>>) target(%dma_start3A_43 : memref<50x128xf32, #tpu.memory_space<vmem>>) target_semaphore(%arg13 : memref<!tpu.dma_semaphore, #tpu.memory_space<semaphore_mem>>)
    %scan3A = arith.constant 0 : i32
    %scan3A_46 = arith.constant 0 : i32
    %scan3A_47 = arith.constant 8 : i32
    %scan3A_48 = arith.addi %scan3A_46, %scan3A_47 : i32
    %scan3A_49 = arith.constant 1 : i32
    %scan3A_50 = scf.for %scan3A_57 = %scan3A_46 to %scan3A_48 step %scan3A_49 iter_args(%scan3A_58 = %scan3A) -> (i32)  : i32 {
      %rem3A_59 = arith.constant 2 : i32
      %rem3A_60 = arith.remsi %scan3A_57, %rem3A_59 : i32
      %rem3A_61 = arith.constant 2 : i32
      %rem3A_62 = arith.remsi %scan3A_57, %rem3A_61 : i32
      %mul3A_63 = arith.constant 50 : i32
      %mul3A_64 = arith.muli %scan3A_57, %mul3A_63 : i32
      %add3A_65 = arith.addi %mul3A_6, %mul3A_64 : i32
      %dma_wait3A = arith.constant 0 : i32
      %dma_wait3A_66 = arith.constant 0 : i32
      %dma_wait3A_67 = tpu.memref_slice %arg9[%rem3A_62, %dma_wait3A, %dma_wait3A_66] : memref<2x50x128xi32, #tpu.memory_space<vmem>> -> memref<1x50x128xi32, #tpu.memory_space<vmem>>
      %dma_wait3A_68 = tpu.memref_squeeze %dma_wait3A_67 : memref<1x50x128xi32, #tpu.memory_space<vmem>> -> memref<50x128xi32, #tpu.memory_space<vmem>>
      %dma_wait3A_69 = arith.constant 0 : i32
      %dma_wait3A_70 = tpu.memref_slice %arg3[%add3A_65, %dma_wait3A_69] : memref<12800x128xi32, #tpu.memory_space<hbm>> -> memref<50x128xi32, #tpu.memory_space<hbm>>
      %dma_wait3A_71 = arith.constant 0 : i32
      %dma_wait3A_72 = arith.constant 0 : i32
      %dma_wait3A_73 = tpu.memref_slice %arg9[%rem3A_62, %dma_wait3A_71, %dma_wait3A_72] : memref<2x50x128xi32, #tpu.memory_space<vmem>> -> memref<1x50x128xi32, #tpu.memory_space<vmem>>
      %dma_wait3A_74 = tpu.memref_squeeze %dma_wait3A_73 : memref<1x50x128xi32, #tpu.memory_space<vmem>> -> memref<50x128xi32, #tpu.memory_space<vmem>>
      %dma_wait3A_75 = arith.constant 0 : i32
      %dma_wait3A_76 = tpu.memref_slice %arg3[%add3A_65, %dma_wait3A_75] : memref<12800x128xi32, #tpu.memory_space<hbm>> -> memref<50x128xi32, #tpu.memory_space<hbm>>
      tpu.wait_dma2 semaphore(%arg13 : memref<!tpu.dma_semaphore, #tpu.memory_space<semaphore_mem>>) src(%dma_wait3A_76 : memref<50x128xi32, #tpu.memory_space<hbm>>) dst(%dma_wait3A_74 : memref<50x128xi32, #tpu.memory_space<vmem>>)
      %dma_wait3A_77 = arith.constant 0 : i32
      %dma_wait3A_78 = arith.constant 0 : i32
      %dma_wait3A_79 = tpu.memref_slice %arg10[%rem3A_62, %dma_wait3A_77, %dma_wait3A_78] : memref<2x50x128xi32, #tpu.memory_space<vmem>> -> memref<1x50x128xi32, #tpu.memory_space<vmem>>
      %dma_wait3A_80 = tpu.memref_squeeze %dma_wait3A_79 : memref<1x50x128xi32, #tpu.memory_space<vmem>> -> memref<50x128xi32, #tpu.memory_space<vmem>>
      %dma_wait3A_81 = arith.constant 0 : i32
      %dma_wait3A_82 = tpu.memref_slice %arg4[%add3A_65, %dma_wait3A_81] : memref<12800x128xi32, #tpu.memory_space<hbm>> -> memref<50x128xi32, #tpu.memory_space<hbm>>
      %dma_wait3A_83 = arith.constant 0 : i32
      %dma_wait3A_84 = arith.constant 0 : i32
      %dma_wait3A_85 = tpu.memref_slice %arg10[%rem3A_62, %dma_wait3A_83, %dma_wait3A_84] : memref<2x50x128xi32, #tpu.memory_space<vmem>> -> memref<1x50x128xi32, #tpu.memory_space<vmem>>
      %dma_wait3A_86 = tpu.memref_squeeze %dma_wait3A_85 : memref<1x50x128xi32, #tpu.memory_space<vmem>> -> memref<50x128xi32, #tpu.memory_space<vmem>>
      %dma_wait3A_87 = arith.constant 0 : i32
      %dma_wait3A_88 = tpu.memref_slice %arg4[%add3A_65, %dma_wait3A_87] : memref<12800x128xi32, #tpu.memory_space<hbm>> -> memref<50x128xi32, #tpu.memory_space<hbm>>
      tpu.wait_dma2 semaphore(%arg13 : memref<!tpu.dma_semaphore, #tpu.memory_space<semaphore_mem>>) src(%dma_wait3A_88 : memref<50x128xi32, #tpu.memory_space<hbm>>) dst(%dma_wait3A_86 : memref<50x128xi32, #tpu.memory_space<vmem>>)
      %dma_wait3A_89 = arith.constant 0 : i32
      %dma_wait3A_90 = arith.constant 0 : i32
      %dma_wait3A_91 = tpu.memref_slice %arg11[%rem3A_62, %dma_wait3A_89, %dma_wait3A_90] : memref<2x50x128xf32, #tpu.memory_space<vmem>> -> memref<1x50x128xf32, #tpu.memory_space<vmem>>
      %dma_wait3A_92 = tpu.memref_squeeze %dma_wait3A_91 : memref<1x50x128xf32, #tpu.memory_space<vmem>> -> memref<50x128xf32, #tpu.memory_space<vmem>>
      %dma_wait3A_93 = arith.constant 0 : i32
      %dma_wait3A_94 = tpu.memref_slice %arg5[%add3A_65, %dma_wait3A_93] : memref<12800x128xf32, #tpu.memory_space<hbm>> -> memref<50x128xf32, #tpu.memory_space<hbm>>
      %dma_wait3A_95 = arith.constant 0 : i32
      %dma_wait3A_96 = arith.constant 0 : i32
      %dma_wait3A_97 = tpu.memref_slice %arg11[%rem3A_62, %dma_wait3A_95, %dma_wait3A_96] : memref<2x50x128xf32, #tpu.memory_space<vmem>> -> memref<1x50x128xf32, #tpu.memory_space<vmem>>
      %dma_wait3A_98 = tpu.memref_squeeze %dma_wait3A_97 : memref<1x50x128xf32, #tpu.memory_space<vmem>> -> memref<50x128xf32, #tpu.memory_space<vmem>>
      %dma_wait3A_99 = arith.constant 0 : i32
      %dma_wait3A_100 = tpu.memref_slice %arg5[%add3A_65, %dma_wait3A_99] : memref<12800x128xf32, #tpu.memory_space<hbm>> -> memref<50x128xf32, #tpu.memory_space<hbm>>
      tpu.wait_dma2 semaphore(%arg13 : memref<!tpu.dma_semaphore, #tpu.memory_space<semaphore_mem>>) src(%dma_wait3A_100 : memref<50x128xf32, #tpu.memory_space<hbm>>) dst(%dma_wait3A_98 : memref<50x128xf32, #tpu.memory_space<vmem>>)
      %add3A_101 = arith.constant 1 : i32
      %add3A_102 = arith.addi %scan3A_57, %add3A_101 : i32
      %lt3A = arith.constant 8 : i32
      %lt3A_103 = arith.cmpi slt, %add3A_102, %lt3A : i32
      %convert_element_type3A = arith.extui %lt3A_103 : i1 to i32
      %cond3A = arith.constant 0 : i32
      %cond3A_104 = arith.cmpi ne, %convert_element_type3A, %cond3A : i32
      scf.if %cond3A_104 {
        %add3A_141 = arith.constant 1 : i32
        %add3A_142 = arith.addi %scan3A_57, %add3A_141 : i32
        %rem3A_143 = arith.constant 2 : i32
        %rem3A_144 = arith.remsi %add3A_142, %rem3A_143 : i32
        %mul3A_145 = arith.constant 50 : i32
        %mul3A_146 = arith.muli %add3A_142, %mul3A_145 : i32
        %add3A_147 = arith.addi %mul3A_6, %mul3A_146 : i32
        %dma_start3A_148 = arith.constant 0 : i32
        %dma_start3A_149 = arith.constant 0 : i32
        %dma_start3A_150 = tpu.memref_slice %arg9[%rem3A_144, %dma_start3A_148, %dma_start3A_149] : memref<2x50x128xi32, #tpu.memory_space<vmem>> -> memref<1x50x128xi32, #tpu.memory_space<vmem>>
        %dma_start3A_151 = tpu.memref_squeeze %dma_start3A_150 : memref<1x50x128xi32, #tpu.memory_space<vmem>> -> memref<50x128xi32, #tpu.memory_space<vmem>>
        %dma_start3A_152 = arith.constant 0 : i32
        %dma_start3A_153 = tpu.memref_slice %arg3[%add3A_147, %dma_start3A_152] : memref<12800x128xi32, #tpu.memory_space<hbm>> -> memref<50x128xi32, #tpu.memory_space<hbm>>
        %dma_start3A_154 = arith.constant 0 : i32
        %dma_start3A_155 = arith.constant 0 : i32
        %dma_start3A_156 = tpu.memref_slice %arg9[%rem3A_144, %dma_start3A_154, %dma_start3A_155] : memref<2x50x128xi32, #tpu.memory_space<vmem>> -> memref<1x50x128xi32, #tpu.memory_space<vmem>>
        %dma_start3A_157 = tpu.memref_squeeze %dma_start3A_156 : memref<1x50x128xi32, #tpu.memory_space<vmem>> -> memref<50x128xi32, #tpu.memory_space<vmem>>
        %dma_start3A_158 = arith.constant 0 : i32
        %dma_start3A_159 = tpu.memref_slice %arg3[%add3A_147, %dma_start3A_158] : memref<12800x128xi32, #tpu.memory_space<hbm>> -> memref<50x128xi32, #tpu.memory_space<hbm>>
        tpu.enqueue_dma source(%dma_start3A_159 : memref<50x128xi32, #tpu.memory_space<hbm>>) target(%dma_start3A_157 : memref<50x128xi32, #tpu.memory_space<vmem>>) target_semaphore(%arg13 : memref<!tpu.dma_semaphore, #tpu.memory_space<semaphore_mem>>)
        %dma_start3A_160 = arith.constant 0 : i32
        %dma_start3A_161 = arith.constant 0 : i32
        %dma_start3A_162 = tpu.memref_slice %arg10[%rem3A_144, %dma_start3A_160, %dma_start3A_161] : memref<2x50x128xi32, #tpu.memory_space<vmem>> -> memref<1x50x128xi32, #tpu.memory_space<vmem>>
        %dma_start3A_163 = tpu.memref_squeeze %dma_start3A_162 : memref<1x50x128xi32, #tpu.memory_space<vmem>> -> memref<50x128xi32, #tpu.memory_space<vmem>>
        %dma_start3A_164 = arith.constant 0 : i32
        %dma_start3A_165 = tpu.memref_slice %arg4[%add3A_147, %dma_start3A_164] : memref<12800x128xi32, #tpu.memory_space<hbm>> -> memref<50x128xi32, #tpu.memory_space<hbm>>
        %dma_start3A_166 = arith.constant 0 : i32
        %dma_start3A_167 = arith.constant 0 : i32
        %dma_start3A_168 = tpu.memref_slice %arg10[%rem3A_144, %dma_start3A_166, %dma_start3A_167] : memref<2x50x128xi32, #tpu.memory_space<vmem>> -> memref<1x50x128xi32, #tpu.memory_space<vmem>>
        %dma_start3A_169 = tpu.memref_squeeze %dma_start3A_168 : memref<1x50x128xi32, #tpu.memory_space<vmem>> -> memref<50x128xi32, #tpu.memory_space<vmem>>
        %dma_start3A_170 = arith.constant 0 : i32
        %dma_start3A_171 = tpu.memref_slice %arg4[%add3A_147, %dma_start3A_170] : memref<12800x128xi32, #tpu.memory_space<hbm>> -> memref<50x128xi32, #tpu.memory_space<hbm>>
        tpu.enqueue_dma source(%dma_start3A_171 : memref<50x128xi32, #tpu.memory_space<hbm>>) target(%dma_start3A_169 : memref<50x128xi32, #tpu.memory_space<vmem>>) target_semaphore(%arg13 : memref<!tpu.dma_semaphore, #tpu.memory_space<semaphore_mem>>)
        %dma_start3A_172 = arith.constant 0 : i32
        %dma_start3A_173 = arith.constant 0 : i32
        %dma_start3A_174 = tpu.memref_slice %arg11[%rem3A_144, %dma_start3A_172, %dma_start3A_173] : memref<2x50x128xf32, #tpu.memory_space<vmem>> -> memref<1x50x128xf32, #tpu.memory_space<vmem>>
        %dma_start3A_175 = tpu.memref_squeeze %dma_start3A_174 : memref<1x50x128xf32, #tpu.memory_space<vmem>> -> memref<50x128xf32, #tpu.memory_space<vmem>>
        %dma_start3A_176 = arith.constant 0 : i32
        %dma_start3A_177 = tpu.memref_slice %arg5[%add3A_147, %dma_start3A_176] : memref<12800x128xf32, #tpu.memory_space<hbm>> -> memref<50x128xf32, #tpu.memory_space<hbm>>
        %dma_start3A_178 = arith.constant 0 : i32
        %dma_start3A_179 = arith.constant 0 : i32
        %dma_start3A_180 = tpu.memref_slice %arg11[%rem3A_144, %dma_start3A_178, %dma_start3A_179] : memref<2x50x128xf32, #tpu.memory_space<vmem>> -> memref<1x50x128xf32, #tpu.memory_space<vmem>>
        %dma_start3A_181 = tpu.memref_squeeze %dma_start3A_180 : memref<1x50x128xf32, #tpu.memory_space<vmem>> -> memref<50x128xf32, #tpu.memory_space<vmem>>
        %dma_start3A_182 = arith.constant 0 : i32
        %dma_start3A_183 = tpu.memref_slice %arg5[%add3A_147, %dma_start3A_182] : memref<12800x128xf32, #tpu.memory_space<hbm>> -> memref<50x128xf32, #tpu.memory_space<hbm>>
        tpu.enqueue_dma source(%dma_start3A_183 : memref<50x128xf32, #tpu.memory_space<hbm>>) target(%dma_start3A_181 : memref<50x128xf32, #tpu.memory_space<vmem>>) target_semaphore(%arg13 : memref<!tpu.dma_semaphore, #tpu.memory_space<semaphore_mem>>)
      } else {
      }
      %rem3A_105 = arith.constant 0 : i32
      %rem3A_106 = arith.constant 2 : i32
      %rem3A_107 = arith.remsi %rem3A_105, %rem3A_106 : i32
      %dma_start3A_108 = arith.constant 0 : i32
      %dma_start3A_109 = arith.constant 0 : i32
      %dma_start3A_110 = arith.constant 0 : i32
      %dma_start3A_111 = tpu.memref_slice %arg12[%rem3A_107, %dma_start3A_109, %dma_start3A_110] : memref<2x128x16xf32, #tpu.memory_space<vmem>> -> memref<1x128x16xf32, #tpu.memory_space<vmem>>
      %dma_start3A_112 = tpu.memref_squeeze %dma_start3A_111 : memref<1x128x16xf32, #tpu.memory_space<vmem>> -> memref<128x16xf32, #tpu.memory_space<vmem>>
      %dma_start3A_113 = arith.constant 0 : i32
      %dma_start3A_114 = tpu.memref_slice %arg9[%rem3A_60, %dma_start3A_108, %dma_start3A_113] : memref<2x50x128xi32, #tpu.memory_space<vmem>> -> memref<1x1x128xi32, #tpu.memory_space<vmem>>
      %dma_start3A_115 = tpu.memref_squeeze %dma_start3A_114 : memref<1x1x128xi32, #tpu.memory_space<vmem>> -> memref<128xi32, #tpu.memory_space<vmem>>
      %dma_start3A_116 = arith.constant 0 : i32
      %dma_start3A_117 = arith.constant 0 : i32
      %dma_start3A_118 = tpu.memref_slice %arg2[%dma_start3A_116, %dma_start3A_117] : memref<50000x16xf32, #tpu.memory_space<hbm>> -> memref<50000x16xf32, #tpu.memory_space<hbm>>
      tpu.enqueue_indirect_dma source(%dma_start3A_118 : memref<50000x16xf32, #tpu.memory_space<hbm>>) target(%dma_start3A_112 : memref<128x16xf32, #tpu.memory_space<vmem>>) offsets(%dma_start3A_115 : memref<128xi32, #tpu.memory_space<vmem>>) semaphore(%arg14 : memref<!tpu.dma_semaphore, #tpu.memory_space<semaphore_mem>>)
      %scan3A_119 = arith.constant 0 : i32
      %scan3A_120 = arith.constant 0 : i32
      %scan3A_121 = arith.constant 50 : i32
      %scan3A_122 = arith.addi %scan3A_120, %scan3A_121 : i32
      %scan3A_123 = arith.constant 1 : i32
      %scan3A_124 = scf.for %scan3A_141 = %scan3A_120 to %scan3A_122 step %scan3A_123 iter_args(%scan3A_142 = %scan3A_119) -> (i32)  : i32 {
        %rem3A_143 = arith.constant 2 : i32
        %rem3A_144 = arith.remsi %scan3A_141, %rem3A_143 : i32
        %dma_wait3A_145 = arith.constant 0 : i32
        %dma_wait3A_146 = arith.constant 0 : i32
        %dma_wait3A_147 = tpu.memref_slice %arg12[%rem3A_144, %dma_wait3A_145, %dma_wait3A_146] : memref<2x128x16xf32, #tpu.memory_space<vmem>> -> memref<1x128x16xf32, #tpu.memory_space<vmem>>
        %dma_wait3A_148 = tpu.memref_squeeze %dma_wait3A_147 : memref<1x128x16xf32, #tpu.memory_space<vmem>> -> memref<128x16xf32, #tpu.memory_space<vmem>>
        %dma_wait3A_149 = arith.constant 0 : i32
        %dma_wait3A_150 = tpu.memref_slice %arg9[%rem3A_60, %scan3A_141, %dma_wait3A_149] : memref<2x50x128xi32, #tpu.memory_space<vmem>> -> memref<1x1x128xi32, #tpu.memory_space<vmem>>
        %dma_wait3A_151 = tpu.memref_squeeze %dma_wait3A_150 : memref<1x1x128xi32, #tpu.memory_space<vmem>> -> memref<128xi32, #tpu.memory_space<vmem>>
        %dma_wait3A_152 = arith.constant 0 : i32
        %dma_wait3A_153 = arith.constant 0 : i32
        %dma_wait3A_154 = tpu.memref_slice %arg2[%dma_wait3A_152, %dma_wait3A_153] : memref<50000x16xf32, #tpu.memory_space<hbm>> -> memref<50000x16xf32, #tpu.memory_space<hbm>>
        tpu.wait_indirect_dma semaphore(%arg14 : memref<!tpu.dma_semaphore, #tpu.memory_space<semaphore_mem>>) src(%dma_wait3A_154 : memref<50000x16xf32, #tpu.memory_space<hbm>>) dst(%dma_wait3A_148 : memref<128x16xf32, #tpu.memory_space<vmem>>)
        %ge3A = arith.constant 1 : i32
        %ge3A_155 = arith.cmpi sge, %scan3A_141, %ge3A : i32
        %convert_element_type3A_156 = arith.extui %ge3A_155 : i1 to i32
        %cond3A_157 = arith.constant 0 : i32
        %cond3A_158 = arith.cmpi ne, %convert_element_type3A_156, %cond3A_157 : i32
        scf.if %cond3A_158 {
          %sub3A = arith.constant 1 : i32
          %sub3A_188 = arith.subi %scan3A_141, %sub3A : i32
          %rem3A_189 = arith.constant 2 : i32
          %rem3A_190 = arith.remsi %sub3A_188, %rem3A_189 : i32
          %dma_wait3A_191 = arith.constant 0 : i32
          %dma_wait3A_192 = arith.constant 0 : i32
          %dma_wait3A_193 = tpu.memref_slice %arg12[%rem3A_190, %dma_wait3A_191, %dma_wait3A_192] : memref<2x128x16xf32, #tpu.memory_space<vmem>> -> memref<1x128x16xf32, #tpu.memory_space<vmem>>
          %dma_wait3A_194 = tpu.memref_squeeze %dma_wait3A_193 : memref<1x128x16xf32, #tpu.memory_space<vmem>> -> memref<128x16xf32, #tpu.memory_space<vmem>>
          %dma_wait3A_195 = arith.constant 0 : i32
          %dma_wait3A_196 = tpu.memref_slice %arg10[%rem3A_60, %sub3A_188, %dma_wait3A_195] : memref<2x50x128xi32, #tpu.memory_space<vmem>> -> memref<1x1x128xi32, #tpu.memory_space<vmem>>
          %dma_wait3A_197 = tpu.memref_squeeze %dma_wait3A_196 : memref<1x1x128xi32, #tpu.memory_space<vmem>> -> memref<128xi32, #tpu.memory_space<vmem>>
          %dma_wait3A_198 = arith.constant 0 : i32
          %dma_wait3A_199 = arith.constant 0 : i32
          %dma_wait3A_200 = tpu.memref_slice %arg8[%dma_wait3A_198, %dma_wait3A_199] : memref<50048x16xf32, #tpu.memory_space<vmem_shared>> -> memref<50048x16xf32, #tpu.memory_space<vmem_shared>>
          tpu.wait_indirect_dma semaphore(%arg15 : memref<!tpu.dma_semaphore, #tpu.memory_space<semaphore_mem>>) src(%dma_wait3A_194 : memref<128x16xf32, #tpu.memory_space<vmem>>) dst(%dma_wait3A_200 : memref<50048x16xf32, #tpu.memory_space<vmem_shared>>)
        } else {
        }
        %add3A_159 = arith.constant 1 : i32
        %add3A_160 = arith.addi %scan3A_141, %add3A_159 : i32
        %lt3A_161 = arith.constant 50 : i32
        %lt3A_162 = arith.cmpi slt, %add3A_160, %lt3A_161 : i32
        %convert_element_type3A_163 = arith.extui %lt3A_162 : i1 to i32
        %cond3A_164 = arith.constant 0 : i32
        %cond3A_165 = arith.cmpi ne, %convert_element_type3A_163, %cond3A_164 : i32
        scf.if %cond3A_165 {
          %add3A_188 = arith.constant 1 : i32
          %add3A_189 = arith.addi %scan3A_141, %add3A_188 : i32
          %rem3A_190 = arith.constant 2 : i32
          %rem3A_191 = arith.remsi %add3A_189, %rem3A_190 : i32
          %dma_start3A_192 = arith.constant 0 : i32
          %dma_start3A_193 = arith.constant 0 : i32
          %dma_start3A_194 = tpu.memref_slice %arg12[%rem3A_191, %dma_start3A_192, %dma_start3A_193] : memref<2x128x16xf32, #tpu.memory_space<vmem>> -> memref<1x128x16xf32, #tpu.memory_space<vmem>>
          %dma_start3A_195 = tpu.memref_squeeze %dma_start3A_194 : memref<1x128x16xf32, #tpu.memory_space<vmem>> -> memref<128x16xf32, #tpu.memory_space<vmem>>
          %dma_start3A_196 = arith.constant 0 : i32
          %dma_start3A_197 = tpu.memref_slice %arg9[%rem3A_60, %add3A_189, %dma_start3A_196] : memref<2x50x128xi32, #tpu.memory_space<vmem>> -> memref<1x1x128xi32, #tpu.memory_space<vmem>>
          %dma_start3A_198 = tpu.memref_squeeze %dma_start3A_197 : memref<1x1x128xi32, #tpu.memory_space<vmem>> -> memref<128xi32, #tpu.memory_space<vmem>>
          %dma_start3A_199 = arith.constant 0 : i32
          %dma_start3A_200 = arith.constant 0 : i32
          %dma_start3A_201 = tpu.memref_slice %arg2[%dma_start3A_199, %dma_start3A_200] : memref<50000x16xf32, #tpu.memory_space<hbm>> -> memref<50000x16xf32, #tpu.memory_space<hbm>>
          tpu.enqueue_indirect_dma source(%dma_start3A_201 : memref<50000x16xf32, #tpu.memory_space<hbm>>) target(%dma_start3A_195 : memref<128x16xf32, #tpu.memory_space<vmem>>) offsets(%dma_start3A_198 : memref<128xi32, #tpu.memory_space<vmem>>) semaphore(%arg14 : memref<!tpu.dma_semaphore, #tpu.memory_space<semaphore_mem>>)
        } else {
        }
        %rem3A_166 = arith.constant 2 : i32
        %rem3A_167 = arith.remsi %scan3A_141, %rem3A_166 : i32
        %scan3A_168 = arith.constant 0 : i32
        %scan3A_169 = arith.constant 0 : i32
        %scan3A_170 = arith.constant 8 : i32
        %scan3A_171 = arith.addi %scan3A_169, %scan3A_170 : i32
        %scan3A_172 = arith.constant 1 : i32
        %scan3A_173 = scf.for %scan3A_188 = %scan3A_169 to %scan3A_171 step %scan3A_172 iter_args(%scan3A_189 = %scan3A_168) -> (i32)  : i32 {
          %mul3A_190 = arith.constant 16 : i32
          %mul3A_191 = arith.muli %scan3A_188, %mul3A_190 : i32
          %get3A = arith.index_cast %rem3A_60 : i32 to index
          %get3A_192 = arith.index_cast %scan3A_141 : i32 to index
          %get3A_193 = arith.index_cast %mul3A_191 : i32 to index
          %get3A_194 = tpu.vector_load %arg11[%get3A, %get3A_192, %get3A_193] {strides = array<i32>} : memref<2x50x128xf32, #tpu.memory_space<vmem>>, vector<1x1x16xf32>,
          %get3A_195 = vector.shape_cast %get3A_194 : vector<1x1x16xf32> to vector<16xf32>
          %slice3A = vector.extract_strided_slice %get3A_195 {offsets = [0], sizes = [1], strides = [1]} : vector<16xf32> to vector<1xf32>
          %squeeze3A = vector.extract %slice3A[0] : f32 from vector<1xf32>
          %add3A_196 = arith.constant 0 : i32
          %add3A_197 = arith.addi %mul3A_191, %add3A_196 : i32
          %get3A_198 = arith.index_cast %rem3A_167 : i32 to index
          %get3A_199 = arith.index_cast %add3A_197 : i32 to index
          %get3A_200 = arith.constant 0 : index
          %get3A_201 = tpu.vector_load %arg12[%get3A_198, %get3A_199, %get3A_200] {strides = array<i32>} : memref<2x128x16xf32, #tpu.memory_space<vmem>>, vector<1x1x16xf32>,
          %get3A_202 = vector.shape_cast %get3A_201 : vector<1x1x16xf32> to vector<16xf32>
          %mul3A_203 = vector.broadcast %squeeze3A : f32 to vector<16xf32>
          %mul3A_204 = arith.mulf %mul3A_203, %get3A_202 : vector<16xf32>
          %add3A_205 = arith.constant 0 : i32
          %add3A_206 = arith.addi %mul3A_191, %add3A_205 : i32
          %swap3A = arith.index_cast %rem3A_167 : i32 to index
          %swap3A_207 = arith.index_cast %add3A_206 : i32 to index
          %swap3A_208 = arith.constant 0 : index
          %swap3A_209 = tpu.vector_load %arg12[%swap3A, %swap3A_207, %swap3A_208] {strides = array<i32>} : memref<2x128x16xf32, #tpu.memory_space<vmem>>, vector<1x1x16xf32>,
          %swap3A_210 = vector.shape_cast %swap3A_209 : vector<1x1x16xf32> to vector<16xf32>
          %swap3A_211 = vector.shape_cast %mul3A_204 : vector<16xf32> to vector<1x1x16xf32>
          tpu.vector_store %arg12[%swap3A, %swap3A_207, %swap3A_208], %swap3A_211 {strides = array<i32>} : memref<2x128x16xf32, #tpu.memory_space<vmem>>, vector<1x1x16xf32>,
          %slice3A_212 = vector.extract_strided_slice %get3A_195 {offsets = [1], sizes = [1], strides = [1]} : vector<16xf32> to vector<1xf32>
          %squeeze3A_213 = vector.extract %slice3A_212[0] : f32 from vector<1xf32>
          %add3A_214 = arith.constant 1 : i32
          %add3A_215 = arith.addi %mul3A_191, %add3A_214 : i32
          %get3A_216 = arith.index_cast %rem3A_167 : i32 to index
          %get3A_217 = arith.index_cast %add3A_215 : i32 to index
          %get3A_218 = arith.constant 0 : index
          %get3A_219 = tpu.vector_load %arg12[%get3A_216, %get3A_217, %get3A_218] {strides = array<i32>} : memref<2x128x16xf32, #tpu.memory_space<vmem>>, vector<1x1x16xf32>,
          %get3A_220 = vector.shape_cast %get3A_219 : vector<1x1x16xf32> to vector<16xf32>
          %mul3A_221 = vector.broadcast %squeeze3A_213 : f32 to vector<16xf32>
          %mul3A_222 = arith.mulf %mul3A_221, %get3A_220 : vector<16xf32>
          %add3A_223 = arith.constant 1 : i32
          %add3A_224 = arith.addi %mul3A_191, %add3A_223 : i32
          %swap3A_225 = arith.index_cast %rem3A_167 : i32 to index
          %swap3A_226 = arith.index_cast %add3A_224 : i32 to index
          %swap3A_227 = arith.constant 0 : index
          %swap3A_228 = tpu.vector_load %arg12[%swap3A_225, %swap3A_226, %swap3A_227] {strides = array<i32>} : memref<2x128x16xf32, #tpu.memory_space<vmem>>, vector<1x1x16xf32>,
          %swap3A_229 = vector.shape_cast %swap3A_228 : vector<1x1x16xf32> to vector<16xf32>
          %swap3A_230 = vector.shape_cast %mul3A_222 : vector<16xf32> to vector<1x1x16xf32>
          tpu.vector_store %arg12[%swap3A_225, %swap3A_226, %swap3A_227], %swap3A_230 {strides = array<i32>} : memref<2x128x16xf32, #tpu.memory_space<vmem>>, vector<1x1x16xf32>,
          %slice3A_231 = vector.extract_strided_slice %get3A_195 {offsets = [2], sizes = [1], strides = [1]} : vector<16xf32> to vector<1xf32>
          %squeeze3A_232 = vector.extract %slice3A_231[0] : f32 from vector<1xf32>
          %add3A_233 = arith.constant 2 : i32
          %add3A_234 = arith.addi %mul3A_191, %add3A_233 : i32
          %get3A_235 = arith.index_cast %rem3A_167 : i32 to index
          %get3A_236 = arith.index_cast %add3A_234 : i32 to index
          %get3A_237 = arith.constant 0 : index
          %get3A_238 = tpu.vector_load %arg12[%get3A_235, %get3A_236, %get3A_237] {strides = array<i32>} : memref<2x128x16xf32, #tpu.memory_space<vmem>>, vector<1x1x16xf32>,
          %get3A_239 = vector.shape_cast %get3A_238 : vector<1x1x16xf32> to vector<16xf32>
          %mul3A_240 = vector.broadcast %squeeze3A_232 : f32 to vector<16xf32>
          %mul3A_241 = arith.mulf %mul3A_240, %get3A_239 : vector<16xf32>
          %add3A_242 = arith.constant 2 : i32
          %add3A_243 = arith.addi %mul3A_191, %add3A_242 : i32
          %swap3A_244 = arith.index_cast %rem3A_167 : i32 to index
          %swap3A_245 = arith.index_cast %add3A_243 : i32 to index
          %swap3A_246 = arith.constant 0 : index
          %swap3A_247 = tpu.vector_load %arg12[%swap3A_244, %swap3A_245, %swap3A_246] {strides = array<i32>} : memref<2x128x16xf32, #tpu.memory_space<vmem>>, vector<1x1x16xf32>,
          %swap3A_248 = vector.shape_cast %swap3A_247 : vector<1x1x16xf32> to vector<16xf32>
          %swap3A_249 = vector.shape_cast %mul3A_241 : vector<16xf32> to vector<1x1x16xf32>
          tpu.vector_store %arg12[%swap3A_244, %swap3A_245, %swap3A_246], %swap3A_249 {strides = array<i32>} : memref<2x128x16xf32, #tpu.memory_space<vmem>>, vector<1x1x16xf32>,
          %slice3A_250 = vector.extract_strided_slice %get3A_195 {offsets = [3], sizes = [1], strides = [1]} : vector<16xf32> to vector<1xf32>
          %squeeze3A_251 = vector.extract %slice3A_250[0] : f32 from vector<1xf32>
          %add3A_252 = arith.constant 3 : i32
          %add3A_253 = arith.addi %mul3A_191, %add3A_252 : i32
          %get3A_254 = arith.index_cast %rem3A_167 : i32 to index
          %get3A_255 = arith.index_cast %add3A_253 : i32 to index
          %get3A_256 = arith.constant 0 : index
          %get3A_257 = tpu.vector_load %arg12[%get3A_254, %get3A_255, %get3A_256] {strides = array<i32>} : memref<2x128x16xf32, #tpu.memory_space<vmem>>, vector<1x1x16xf32>,
          %get3A_258 = vector.shape_cast %get3A_257 : vector<1x1x16xf32> to vector<16xf32>
          %mul3A_259 = vector.broadcast %squeeze3A_251 : f32 to vector<16xf32>
          %mul3A_260 = arith.mulf %mul3A_259, %get3A_258 : vector<16xf32>
          %add3A_261 = arith.constant 3 : i32
          %add3A_262 = arith.addi %mul3A_191, %add3A_261 : i32
          %swap3A_263 = arith.index_cast %rem3A_167 : i32 to index
          %swap3A_264 = arith.index_cast %add3A_262 : i32 to index
          %swap3A_265 = arith.constant 0 : index
          %swap3A_266 = tpu.vector_load %arg12[%swap3A_263, %swap3A_264, %swap3A_265] {strides = array<i32>} : memref<2x128x16xf32, #tpu.memory_space<vmem>>, vector<1x1x16xf32>,
          %swap3A_267 = vector.shape_cast %swap3A_266 : vector<1x1x16xf32> to vector<16xf32>
          %swap3A_268 = vector.shape_cast %mul3A_260 : vector<16xf32> to vector<1x1x16xf32>
          tpu.vector_store %arg12[%swap3A_263, %swap3A_264, %swap3A_265], %swap3A_268 {strides = array<i32>} : memref<2x128x16xf32, #tpu.memory_space<vmem>>, vector<1x1x16xf32>,
          %slice3A_269 = vector.extract_strided_slice %get3A_195 {offsets = [4], sizes = [1], strides = [1]} : vector<16xf32> to vector<1xf32>
          %squeeze3A_270 = vector.extract %slice3A_269[0] : f32 from vector<1xf32>
          %add3A_271 = arith.constant 4 : i32
          %add3A_272 = arith.addi %mul3A_191, %add3A_271 : i32
          %get3A_273 = arith.index_cast %rem3A_167 : i32 to index
          %get3A_274 = arith.index_cast %add3A_272 : i32 to index
          %get3A_275 = arith.constant 0 : index
          %get3A_276 = tpu.vector_load %arg12[%get3A_273, %get3A_274, %get3A_275] {strides = array<i32>} : memref<2x128x16xf32, #tpu.memory_space<vmem>>, vector<1x1x16xf32>,
          %get3A_277 = vector.shape_cast %get3A_276 : vector<1x1x16xf32> to vector<16xf32>
          %mul3A_278 = vector.broadcast %squeeze3A_270 : f32 to vector<16xf32>
          %mul3A_279 = arith.mulf %mul3A_278, %get3A_277 : vector<16xf32>
          %add3A_280 = arith.constant 4 : i32
          %add3A_281 = arith.addi %mul3A_191, %add3A_280 : i32
          %swap3A_282 = arith.index_cast %rem3A_167 : i32 to index
          %swap3A_283 = arith.index_cast %add3A_281 : i32 to index
          %swap3A_284 = arith.constant 0 : index
          %swap3A_285 = tpu.vector_load %arg12[%swap3A_282, %swap3A_283, %swap3A_284] {strides = array<i32>} : memref<2x128x16xf32, #tpu.memory_space<vmem>>, vector<1x1x16xf32>,
          %swap3A_286 = vector.shape_cast %swap3A_285 : vector<1x1x16xf32> to vector<16xf32>
          %swap3A_287 = vector.shape_cast %mul3A_279 : vector<16xf32> to vector<1x1x16xf32>
          tpu.vector_store %arg12[%swap3A_282, %swap3A_283, %swap3A_284], %swap3A_287 {strides = array<i32>} : memref<2x128x16xf32, #tpu.memory_space<vmem>>, vector<1x1x16xf32>,
          %slice3A_288 = vector.extract_strided_slice %get3A_195 {offsets = [5], sizes = [1], strides = [1]} : vector<16xf32> to vector<1xf32>
          %squeeze3A_289 = vector.extract %slice3A_288[0] : f32 from vector<1xf32>
          %add3A_290 = arith.constant 5 : i32
          %add3A_291 = arith.addi %mul3A_191, %add3A_290 : i32
          %get3A_292 = arith.index_cast %rem3A_167 : i32 to index
          %get3A_293 = arith.index_cast %add3A_291 : i32 to index
          %get3A_294 = arith.constant 0 : index
          %get3A_295 = tpu.vector_load %arg12[%get3A_292, %get3A_293, %get3A_294] {strides = array<i32>} : memref<2x128x16xf32, #tpu.memory_space<vmem>>, vector<1x1x16xf32>,
          %get3A_296 = vector.shape_cast %get3A_295 : vector<1x1x16xf32> to vector<16xf32>
          %mul3A_297 = vector.broadcast %squeeze3A_289 : f32 to vector<16xf32>
          %mul3A_298 = arith.mulf %mul3A_297, %get3A_296 : vector<16xf32>
          %add3A_299 = arith.constant 5 : i32
          %add3A_300 = arith.addi %mul3A_191, %add3A_299 : i32
          %swap3A_301 = arith.index_cast %rem3A_167 : i32 to index
          %swap3A_302 = arith.index_cast %add3A_300 : i32 to index
          %swap3A_303 = arith.constant 0 : index
          %swap3A_304 = tpu.vector_load %arg12[%swap3A_301, %swap3A_302, %swap3A_303] {strides = array<i32>} : memref<2x128x16xf32, #tpu.memory_space<vmem>>, vector<1x1x16xf32>,
          %swap3A_305 = vector.shape_cast %swap3A_304 : vector<1x1x16xf32> to vector<16xf32>
          %swap3A_306 = vector.shape_cast %mul3A_298 : vector<16xf32> to vector<1x1x16xf32>
          tpu.vector_store %arg12[%swap3A_301, %swap3A_302, %swap3A_303], %swap3A_306 {strides = array<i32>} : memref<2x128x16xf32, #tpu.memory_space<vmem>>, vector<1x1x16xf32>,
          %slice3A_307 = vector.extract_strided_slice %get3A_195 {offsets = [6], sizes = [1], strides = [1]} : vector<16xf32> to vector<1xf32>
          %squeeze3A_308 = vector.extract %slice3A_307[0] : f32 from vector<1xf32>
          %add3A_309 = arith.constant 6 : i32
          %add3A_310 = arith.addi %mul3A_191, %add3A_309 : i32
          %get3A_311 = arith.index_cast %rem3A_167 : i32 to index
          %get3A_312 = arith.index_cast %add3A_310 : i32 to index
          %get3A_313 = arith.constant 0 : index
          %get3A_314 = tpu.vector_load %arg12[%get3A_311, %get3A_312, %get3A_313] {strides = array<i32>} : memref<2x128x16xf32, #tpu.memory_space<vmem>>, vector<1x1x16xf32>,
          %get3A_315 = vector.shape_cast %get3A_314 : vector<1x1x16xf32> to vector<16xf32>
          %mul3A_316 = vector.broadcast %squeeze3A_308 : f32 to vector<16xf32>
          %mul3A_317 = arith.mulf %mul3A_316, %get3A_315 : vector<16xf32>
          %add3A_318 = arith.constant 6 : i32
          %add3A_319 = arith.addi %mul3A_191, %add3A_318 : i32
          %swap3A_320 = arith.index_cast %rem3A_167 : i32 to index
          %swap3A_321 = arith.index_cast %add3A_319 : i32 to index
          %swap3A_322 = arith.constant 0 : index
          %swap3A_323 = tpu.vector_load %arg12[%swap3A_320, %swap3A_321, %swap3A_322] {strides = array<i32>} : memref<2x128x16xf32, #tpu.memory_space<vmem>>, vector<1x1x16xf32>,
          %swap3A_324 = vector.shape_cast %swap3A_323 : vector<1x1x16xf32> to vector<16xf32>
          %swap3A_325 = vector.shape_cast %mul3A_317 : vector<16xf32> to vector<1x1x16xf32>
          tpu.vector_store %arg12[%swap3A_320, %swap3A_321, %swap3A_322], %swap3A_325 {strides = array<i32>} : memref<2x128x16xf32, #tpu.memory_space<vmem>>, vector<1x1x16xf32>,
          %slice3A_326 = vector.extract_strided_slice %get3A_195 {offsets = [7], sizes = [1], strides = [1]} : vector<16xf32> to vector<1xf32>
          %squeeze3A_327 = vector.extract %slice3A_326[0] : f32 from vector<1xf32>
          %add3A_328 = arith.constant 7 : i32
          %add3A_329 = arith.addi %mul3A_191, %add3A_328 : i32
          %get3A_330 = arith.index_cast %rem3A_167 : i32 to index
          %get3A_331 = arith.index_cast %add3A_329 : i32 to index
          %get3A_332 = arith.constant 0 : index
          %get3A_333 = tpu.vector_load %arg12[%get3A_330, %get3A_331, %get3A_332] {strides = array<i32>} : memref<2x128x16xf32, #tpu.memory_space<vmem>>, vector<1x1x16xf32>,
          %get3A_334 = vector.shape_cast %get3A_333 : vector<1x1x16xf32> to vector<16xf32>
          %mul3A_335 = vector.broadcast %squeeze3A_327 : f32 to vector<16xf32>
          %mul3A_336 = arith.mulf %mul3A_335, %get3A_334 : vector<16xf32>
          %add3A_337 = arith.constant 7 : i32
          %add3A_338 = arith.addi %mul3A_191, %add3A_337 : i32
          %swap3A_339 = arith.index_cast %rem3A_167 : i32 to index
          %swap3A_340 = arith.index_cast %add3A_338 : i32 to index
          %swap3A_341 = arith.constant 0 : index
          %swap3A_342 = tpu.vector_load %arg12[%swap3A_339, %swap3A_340, %swap3A_341] {strides = array<i32>} : memref<2x128x16xf32, #tpu.memory_space<vmem>>, vector<1x1x16xf32>,
          %swap3A_343 = vector.shape_cast %swap3A_342 : vector<1x1x16xf32> to vector<16xf32>
          %swap3A_344 = vector.shape_cast %mul3A_336 : vector<16xf32> to vector<1x1x16xf32>
          tpu.vector_store %arg12[%swap3A_339, %swap3A_340, %swap3A_341], %swap3A_344 {strides = array<i32>} : memref<2x128x16xf32, #tpu.memory_space<vmem>>, vector<1x1x16xf32>,
          %slice3A_345 = vector.extract_strided_slice %get3A_195 {offsets = [8], sizes = [1], strides = [1]} : vector<16xf32> to vector<1xf32>
          %squeeze3A_346 = vector.extract %slice3A_345[0] : f32 from vector<1xf32>
          %add3A_347 = arith.constant 8 : i32
          %add3A_348 = arith.addi %mul3A_191, %add3A_347 : i32
          %get3A_349 = arith.index_cast %rem3A_167 : i32 to index
          %get3A_350 = arith.index_cast %add3A_348 : i32 to index
          %get3A_351 = arith.constant 0 : index
          %get3A_352 = tpu.vector_load %arg12[%get3A_349, %get3A_350, %get3A_351] {strides = array<i32>} : memref<2x128x16xf32, #tpu.memory_space<vmem>>, vector<1x1x16xf32>,
          %get3A_353 = vector.shape_cast %get3A_352 : vector<1x1x16xf32> to vector<16xf32>
          %mul3A_354 = vector.broadcast %squeeze3A_346 : f32 to vector<16xf32>
          %mul3A_355 = arith.mulf %mul3A_354, %get3A_353 : vector<16xf32>
          %add3A_356 = arith.constant 8 : i32
          %add3A_357 = arith.addi %mul3A_191, %add3A_356 : i32
          %swap3A_358 = arith.index_cast %rem3A_167 : i32 to index
          %swap3A_359 = arith.index_cast %add3A_357 : i32 to index
          %swap3A_360 = arith.constant 0 : index
          %swap3A_361 = tpu.vector_load %arg12[%swap3A_358, %swap3A_359, %swap3A_360] {strides = array<i32>} : memref<2x128x16xf32, #tpu.memory_space<vmem>>, vector<1x1x16xf32>,
          %swap3A_362 = vector.shape_cast %swap3A_361 : vector<1x1x16xf32> to vector<16xf32>
          %swap3A_363 = vector.shape_cast %mul3A_355 : vector<16xf32> to vector<1x1x16xf32>
          tpu.vector_store %arg12[%swap3A_358, %swap3A_359, %swap3A_360], %swap3A_363 {strides = array<i32>} : memref<2x128x16xf32, #tpu.memory_space<vmem>>, vector<1x1x16xf32>,
          %slice3A_364 = vector.extract_strided_slice %get3A_195 {offsets = [9], sizes = [1], strides = [1]} : vector<16xf32> to vector<1xf32>
          %squeeze3A_365 = vector.extract %slice3A_364[0] : f32 from vector<1xf32>
          %add3A_366 = arith.constant 9 : i32
          %add3A_367 = arith.addi %mul3A_191, %add3A_366 : i32
          %get3A_368 = arith.index_cast %rem3A_167 : i32 to index
          %get3A_369 = arith.index_cast %add3A_367 : i32 to index
          %get3A_370 = arith.constant 0 : index
          %get3A_371 = tpu.vector_load %arg12[%get3A_368, %get3A_369, %get3A_370] {strides = array<i32>} : memref<2x128x16xf32, #tpu.memory_space<vmem>>, vector<1x1x16xf32>,
          %get3A_372 = vector.shape_cast %get3A_371 : vector<1x1x16xf32> to vector<16xf32>
          %mul3A_373 = vector.broadcast %squeeze3A_365 : f32 to vector<16xf32>
          %mul3A_374 = arith.mulf %mul3A_373, %get3A_372 : vector<16xf32>
          %add3A_375 = arith.constant 9 : i32
          %add3A_376 = arith.addi %mul3A_191, %add3A_375 : i32
          %swap3A_377 = arith.index_cast %rem3A_167 : i32 to index
          %swap3A_378 = arith.index_cast %add3A_376 : i32 to index
          %swap3A_379 = arith.constant 0 : index
          %swap3A_380 = tpu.vector_load %arg12[%swap3A_377, %swap3A_378, %swap3A_379] {strides = array<i32>} : memref<2x128x16xf32, #tpu.memory_space<vmem>>, vector<1x1x16xf32>,
          %swap3A_381 = vector.shape_cast %swap3A_380 : vector<1x1x16xf32> to vector<16xf32>
          %swap3A_382 = vector.shape_cast %mul3A_374 : vector<16xf32> to vector<1x1x16xf32>
          tpu.vector_store %arg12[%swap3A_377, %swap3A_378, %swap3A_379], %swap3A_382 {strides = array<i32>} : memref<2x128x16xf32, #tpu.memory_space<vmem>>, vector<1x1x16xf32>,
          %slice3A_383 = vector.extract_strided_slice %get3A_195 {offsets = [10], sizes = [1], strides = [1]} : vector<16xf32> to vector<1xf32>
          %squeeze3A_384 = vector.extract %slice3A_383[0] : f32 from vector<1xf32>
          %add3A_385 = arith.constant 10 : i32
          %add3A_386 = arith.addi %mul3A_191, %add3A_385 : i32
          %get3A_387 = arith.index_cast %rem3A_167 : i32 to index
          %get3A_388 = arith.index_cast %add3A_386 : i32 to index
          %get3A_389 = arith.constant 0 : index
          %get3A_390 = tpu.vector_load %arg12[%get3A_387, %get3A_388, %get3A_389] {strides = array<i32>} : memref<2x128x16xf32, #tpu.memory_space<vmem>>, vector<1x1x16xf32>,
          %get3A_391 = vector.shape_cast %get3A_390 : vector<1x1x16xf32> to vector<16xf32>
          %mul3A_392 = vector.broadcast %squeeze3A_384 : f32 to vector<16xf32>
          %mul3A_393 = arith.mulf %mul3A_392, %get3A_391 : vector<16xf32>
          %add3A_394 = arith.constant 10 : i32
          %add3A_395 = arith.addi %mul3A_191, %add3A_394 : i32
          %swap3A_396 = arith.index_cast %rem3A_167 : i32 to index
          %swap3A_397 = arith.index_cast %add3A_395 : i32 to index
          %swap3A_398 = arith.constant 0 : index
          %swap3A_399 = tpu.vector_load %arg12[%swap3A_396, %swap3A_397, %swap3A_398] {strides = array<i32>} : memref<2x128x16xf32, #tpu.memory_space<vmem>>, vector<1x1x16xf32>,
          %swap3A_400 = vector.shape_cast %swap3A_399 : vector<1x1x16xf32> to vector<16xf32>
          %swap3A_401 = vector.shape_cast %mul3A_393 : vector<16xf32> to vector<1x1x16xf32>
          tpu.vector_store %arg12[%swap3A_396, %swap3A_397, %swap3A_398], %swap3A_401 {strides = array<i32>} : memref<2x128x16xf32, #tpu.memory_space<vmem>>, vector<1x1x16xf32>,
          %slice3A_402 = vector.extract_strided_slice %get3A_195 {offsets = [11], sizes = [1], strides = [1]} : vector<16xf32> to vector<1xf32>
          %squeeze3A_403 = vector.extract %slice3A_402[0] : f32 from vector<1xf32>
          %add3A_404 = arith.constant 11 : i32
          %add3A_405 = arith.addi %mul3A_191, %add3A_404 : i32
          %get3A_406 = arith.index_cast %rem3A_167 : i32 to index
          %get3A_407 = arith.index_cast %add3A_405 : i32 to index
          %get3A_408 = arith.constant 0 : index
          %get3A_409 = tpu.vector_load %arg12[%get3A_406, %get3A_407, %get3A_408] {strides = array<i32>} : memref<2x128x16xf32, #tpu.memory_space<vmem>>, vector<1x1x16xf32>,
          %get3A_410 = vector.shape_cast %get3A_409 : vector<1x1x16xf32> to vector<16xf32>
          %mul3A_411 = vector.broadcast %squeeze3A_403 : f32 to vector<16xf32>
          %mul3A_412 = arith.mulf %mul3A_411, %get3A_410 : vector<16xf32>
          %add3A_413 = arith.constant 11 : i32
          %add3A_414 = arith.addi %mul3A_191, %add3A_413 : i32
          %swap3A_415 = arith.index_cast %rem3A_167 : i32 to index
          %swap3A_416 = arith.index_cast %add3A_414 : i32 to index
          %swap3A_417 = arith.constant 0 : index
          %swap3A_418 = tpu.vector_load %arg12[%swap3A_415, %swap3A_416, %swap3A_417] {strides = array<i32>} : memref<2x128x16xf32, #tpu.memory_space<vmem>>, vector<1x1x16xf32>,
          %swap3A_419 = vector.shape_cast %swap3A_418 : vector<1x1x16xf32> to vector<16xf32>
          %swap3A_420 = vector.shape_cast %mul3A_412 : vector<16xf32> to vector<1x1x16xf32>
          tpu.vector_store %arg12[%swap3A_415, %swap3A_416, %swap3A_417], %swap3A_420 {strides = array<i32>} : memref<2x128x16xf32, #tpu.memory_space<vmem>>, vector<1x1x16xf32>,
          %slice3A_421 = vector.extract_strided_slice %get3A_195 {offsets = [12], sizes = [1], strides = [1]} : vector<16xf32> to vector<1xf32>
          %squeeze3A_422 = vector.extract %slice3A_421[0] : f32 from vector<1xf32>
          %add3A_423 = arith.constant 12 : i32
          %add3A_424 = arith.addi %mul3A_191, %add3A_423 : i32
          %get3A_425 = arith.index_cast %rem3A_167 : i32 to index
          %get3A_426 = arith.index_cast %add3A_424 : i32 to index
          %get3A_427 = arith.constant 0 : index
          %get3A_428 = tpu.vector_load %arg12[%get3A_425, %get3A_426, %get3A_427] {strides = array<i32>} : memref<2x128x16xf32, #tpu.memory_space<vmem>>, vector<1x1x16xf32>,
          %get3A_429 = vector.shape_cast %get3A_428 : vector<1x1x16xf32> to vector<16xf32>
          %mul3A_430 = vector.broadcast %squeeze3A_422 : f32 to vector<16xf32>
          %mul3A_431 = arith.mulf %mul3A_430, %get3A_429 : vector<16xf32>
          %add3A_432 = arith.constant 12 : i32
          %add3A_433 = arith.addi %mul3A_191, %add3A_432 : i32
          %swap3A_434 = arith.index_cast %rem3A_167 : i32 to index
          %swap3A_435 = arith.index_cast %add3A_433 : i32 to index
          %swap3A_436 = arith.constant 0 : index
          %swap3A_437 = tpu.vector_load %arg12[%swap3A_434, %swap3A_435, %swap3A_436] {strides = array<i32>} : memref<2x128x16xf32, #tpu.memory_space<vmem>>, vector<1x1x16xf32>,
          %swap3A_438 = vector.shape_cast %swap3A_437 : vector<1x1x16xf32> to vector<16xf32>
          %swap3A_439 = vector.shape_cast %mul3A_431 : vector<16xf32> to vector<1x1x16xf32>
          tpu.vector_store %arg12[%swap3A_434, %swap3A_435, %swap3A_436], %swap3A_439 {strides = array<i32>} : memref<2x128x16xf32, #tpu.memory_space<vmem>>, vector<1x1x16xf32>,
          %slice3A_440 = vector.extract_strided_slice %get3A_195 {offsets = [13], sizes = [1], strides = [1]} : vector<16xf32> to vector<1xf32>
          %squeeze3A_441 = vector.extract %slice3A_440[0] : f32 from vector<1xf32>
          %add3A_442 = arith.constant 13 : i32
          %add3A_443 = arith.addi %mul3A_191, %add3A_442 : i32
          %get3A_444 = arith.index_cast %rem3A_167 : i32 to index
          %get3A_445 = arith.index_cast %add3A_443 : i32 to index
          %get3A_446 = arith.constant 0 : index
          %get3A_447 = tpu.vector_load %arg12[%get3A_444, %get3A_445, %get3A_446] {strides = array<i32>} : memref<2x128x16xf32, #tpu.memory_space<vmem>>, vector<1x1x16xf32>,
          %get3A_448 = vector.shape_cast %get3A_447 : vector<1x1x16xf32> to vector<16xf32>
          %mul3A_449 = vector.broadcast %squeeze3A_441 : f32 to vector<16xf32>
          %mul3A_450 = arith.mulf %mul3A_449, %get3A_448 : vector<16xf32>
          %add3A_451 = arith.constant 13 : i32
          %add3A_452 = arith.addi %mul3A_191, %add3A_451 : i32
          %swap3A_453 = arith.index_cast %rem3A_167 : i32 to index
          %swap3A_454 = arith.index_cast %add3A_452 : i32 to index
          %swap3A_455 = arith.constant 0 : index
          %swap3A_456 = tpu.vector_load %arg12[%swap3A_453, %swap3A_454, %swap3A_455] {strides = array<i32>} : memref<2x128x16xf32, #tpu.memory_space<vmem>>, vector<1x1x16xf32>,
          %swap3A_457 = vector.shape_cast %swap3A_456 : vector<1x1x16xf32> to vector<16xf32>
          %swap3A_458 = vector.shape_cast %mul3A_450 : vector<16xf32> to vector<1x1x16xf32>
          tpu.vector_store %arg12[%swap3A_453, %swap3A_454, %swap3A_455], %swap3A_458 {strides = array<i32>} : memref<2x128x16xf32, #tpu.memory_space<vmem>>, vector<1x1x16xf32>,
          %slice3A_459 = vector.extract_strided_slice %get3A_195 {offsets = [14], sizes = [1], strides = [1]} : vector<16xf32> to vector<1xf32>
          %squeeze3A_460 = vector.extract %slice3A_459[0] : f32 from vector<1xf32>
          %add3A_461 = arith.constant 14 : i32
          %add3A_462 = arith.addi %mul3A_191, %add3A_461 : i32
          %get3A_463 = arith.index_cast %rem3A_167 : i32 to index
          %get3A_464 = arith.index_cast %add3A_462 : i32 to index
          %get3A_465 = arith.constant 0 : index
          %get3A_466 = tpu.vector_load %arg12[%get3A_463, %get3A_464, %get3A_465] {strides = array<i32>} : memref<2x128x16xf32, #tpu.memory_space<vmem>>, vector<1x1x16xf32>,
          %get3A_467 = vector.shape_cast %get3A_466 : vector<1x1x16xf32> to vector<16xf32>
          %mul3A_468 = vector.broadcast %squeeze3A_460 : f32 to vector<16xf32>
          %mul3A_469 = arith.mulf %mul3A_468, %get3A_467 : vector<16xf32>
          %add3A_470 = arith.constant 14 : i32
          %add3A_471 = arith.addi %mul3A_191, %add3A_470 : i32
          %swap3A_472 = arith.index_cast %rem3A_167 : i32 to index
          %swap3A_473 = arith.index_cast %add3A_471 : i32 to index
          %swap3A_474 = arith.constant 0 : index
          %swap3A_475 = tpu.vector_load %arg12[%swap3A_472, %swap3A_473, %swap3A_474] {strides = array<i32>} : memref<2x128x16xf32, #tpu.memory_space<vmem>>, vector<1x1x16xf32>,
          %swap3A_476 = vector.shape_cast %swap3A_475 : vector<1x1x16xf32> to vector<16xf32>
          %swap3A_477 = vector.shape_cast %mul3A_469 : vector<16xf32> to vector<1x1x16xf32>
          tpu.vector_store %arg12[%swap3A_472, %swap3A_473, %swap3A_474], %swap3A_477 {strides = array<i32>} : memref<2x128x16xf32, #tpu.memory_space<vmem>>, vector<1x1x16xf32>,
          %slice3A_478 = vector.extract_strided_slice %get3A_195 {offsets = [15], sizes = [1], strides = [1]} : vector<16xf32> to vector<1xf32>
          %squeeze3A_479 = vector.extract %slice3A_478[0] : f32 from vector<1xf32>
          %add3A_480 = arith.constant 15 : i32
          %add3A_481 = arith.addi %mul3A_191, %add3A_480 : i32
          %get3A_482 = arith.index_cast %rem3A_167 : i32 to index
          %get3A_483 = arith.index_cast %add3A_481 : i32 to index
          %get3A_484 = arith.constant 0 : index
          %get3A_485 = tpu.vector_load %arg12[%get3A_482, %get3A_483, %get3A_484] {strides = array<i32>} : memref<2x128x16xf32, #tpu.memory_space<vmem>>, vector<1x1x16xf32>,
          %get3A_486 = vector.shape_cast %get3A_485 : vector<1x1x16xf32> to vector<16xf32>
          %mul3A_487 = vector.broadcast %squeeze3A_479 : f32 to vector<16xf32>
          %mul3A_488 = arith.mulf %mul3A_487, %get3A_486 : vector<16xf32>
          %add3A_489 = arith.constant 15 : i32
          %add3A_490 = arith.addi %mul3A_191, %add3A_489 : i32
          %swap3A_491 = arith.index_cast %rem3A_167 : i32 to index
          %swap3A_492 = arith.index_cast %add3A_490 : i32 to index
          %swap3A_493 = arith.constant 0 : index
          %swap3A_494 = tpu.vector_load %arg12[%swap3A_491, %swap3A_492, %swap3A_493] {strides = array<i32>} : memref<2x128x16xf32, #tpu.memory_space<vmem>>, vector<1x1x16xf32>,
          %swap3A_495 = vector.shape_cast %swap3A_494 : vector<1x1x16xf32> to vector<16xf32>
          %swap3A_496 = vector.shape_cast %mul3A_488 : vector<16xf32> to vector<1x1x16xf32>
          tpu.vector_store %arg12[%swap3A_491, %swap3A_492, %swap3A_493], %swap3A_496 {strides = array<i32>} : memref<2x128x16xf32, #tpu.memory_space<vmem>>, vector<1x1x16xf32>,
          %scan3A_497 = arith.constant 0 : i32
          scf.yield %scan3A_497 : i32
        }
        %scan3A_174 = arith.constant 8 : i32
        %rem3A_175 = arith.constant 2 : i32
        %rem3A_176 = arith.remsi %scan3A_141, %rem3A_175 : i32
        %dma_start3A_177 = arith.constant 0 : i32
        %dma_start3A_178 = arith.constant 0 : i32
        %dma_start3A_179 = tpu.memref_slice %arg12[%rem3A_176, %dma_start3A_177, %dma_start3A_178] : memref<2x128x16xf32, #tpu.memory_space<vmem>> -> memref<1x128x16xf32, #tpu.memory_space<vmem>>
        %dma_start3A_180 = tpu.memref_squeeze %dma_start3A_179 : memref<1x128x16xf32, #tpu.memory_space<vmem>> -> memref<128x16xf32, #tpu.memory_space<vmem>>
        %dma_start3A_181 = arith.constant 0 : i32
        %dma_start3A_182 = tpu.memref_slice %arg10[%rem3A_60, %scan3A_141, %dma_start3A_181] : memref<2x50x128xi32, #tpu.memory_space<vmem>> -> memref<1x1x128xi32, #tpu.memory_space<vmem>>
        %dma_start3A_183 = tpu.memref_squeeze %dma_start3A_182 : memref<1x1x128xi32, #tpu.memory_space<vmem>> -> memref<128xi32, #tpu.memory_space<vmem>>
        %dma_start3A_184 = arith.constant 0 : i32
        %dma_start3A_185 = arith.constant 0 : i32
        %dma_start3A_186 = tpu.memref_slice %arg8[%dma_start3A_184, %dma_start3A_185] : memref<50048x16xf32, #tpu.memory_space<vmem_shared>> -> memref<50048x16xf32, #tpu.memory_space<vmem_shared>>
        tpu.enqueue_indirect_dma source(%dma_start3A_180 : memref<128x16xf32, #tpu.memory_space<vmem>>) target(%dma_start3A_186 : memref<50048x16xf32, #tpu.memory_space<vmem_shared>>) offsets(%dma_start3A_183 : memref<128xi32, #tpu.memory_space<vmem>>) semaphore(%arg15 : memref<!tpu.dma_semaphore, #tpu.memory_space<semaphore_mem>>) {add = true}
        %scan3A_187 = arith.constant 0 : i32
        scf.yield %scan3A_187 : i32
      }
      %scan3A_125 = arith.constant 50 : i32
      %rem3A_126 = arith.constant 49 : i32
      %rem3A_127 = arith.constant 2 : i32
      %rem3A_128 = arith.remsi %rem3A_126, %rem3A_127 : i32
      %dma_wait3A_129 = arith.constant 49 : i32
      %dma_wait3A_130 = arith.constant 0 : i32
      %dma_wait3A_131 = arith.constant 0 : i32
      %dma_wait3A_132 = tpu.memref_slice %arg12[%rem3A_128, %dma_wait3A_130, %dma_wait3A_131] : memref<2x128x16xf32, #tpu.memory_space<vmem>> -> memref<1x128x16xf32, #tpu.memory_space<vmem>>
      %dma_wait3A_133 = tpu.memref_squeeze %dma_wait3A_132 : memref<1x128x16xf32, #tpu.memory_space<vmem>> -> memref<128x16xf32, #tpu.memory_space<vmem>>
      %dma_wait3A_134 = arith.constant 0 : i32
      %dma_wait3A_135 = tpu.memref_slice %arg10[%rem3A_60, %dma_wait3A_129, %dma_wait3A_134] : memref<2x50x128xi32, #tpu.memory_space<vmem>> -> memref<1x1x128xi32, #tpu.memory_space<vmem>>
      %dma_wait3A_136 = tpu.memref_squeeze %dma_wait3A_135 : memref<1x1x128xi32, #tpu.memory_space<vmem>> -> memref<128xi32, #tpu.memory_space<vmem>>
      %dma_wait3A_137 = arith.constant 0 : i32
      %dma_wait3A_138 = arith.constant 0 : i32
      %dma_wait3A_139 = tpu.memref_slice %arg8[%dma_wait3A_137, %dma_wait3A_138] : memref<50048x16xf32, #tpu.memory_space<vmem_shared>> -> memref<50048x16xf32, #tpu.memory_space<vmem_shared>>
      tpu.wait_indirect_dma semaphore(%arg15 : memref<!tpu.dma_semaphore, #tpu.memory_space<semaphore_mem>>) src(%dma_wait3A_133 : memref<128x16xf32, #tpu.memory_space<vmem>>) dst(%dma_wait3A_139 : memref<50048x16xf32, #tpu.memory_space<vmem_shared>>)
      %scan3A_140 = arith.constant 0 : i32
      scf.yield %scan3A_140 : i32
    }
    %scan3A_51 = arith.constant 8 : i32
    %barrier3A_52 = arith.constant 0 : index
    tpu.barrier barrier_id(%barrier3A_52)
    %mul3A_53 = arith.constant 3128 : i32
    %mul3A_54 = arith.muli %arg1, %mul3A_53 : i32
    %mul3A_55 = arith.constant 3128 : i32
    %mul3A_56 = arith.muli %arg1, %mul3A_55 : i32
    "tpu.region"() ({
      %run_scoped3A = tpu.sem_alloc : memref<!tpu.dma_semaphore, #tpu.memory_space<semaphore_mem>>
      %dma_start3A_57 = arith.constant 0 : i32
      %dma_start3A_58 = tpu.memref_slice %arg7[%arg0, %mul3A_56, %dma_start3A_57] : memref<2x50048x16xf32, #tpu.memory_space<hbm>> -> memref<1x3128x16xf32, #tpu.memory_space<hbm>>
      %dma_start3A_59 = tpu.memref_squeeze %dma_start3A_58 : memref<1x3128x16xf32, #tpu.memory_space<hbm>> -> memref<3128x16xf32, #tpu.memory_space<hbm>>
      %dma_start3A_60 = arith.constant 0 : i32
      %dma_start3A_61 = tpu.memref_slice %arg8[%mul3A_54, %dma_start3A_60] : memref<50048x16xf32, #tpu.memory_space<vmem_shared>> -> memref<3128x16xf32, #tpu.memory_space<vmem_shared>>
      tpu.enqueue_dma source(%dma_start3A_61 : memref<3128x16xf32, #tpu.memory_space<vmem_shared>>) target(%dma_start3A_59 : memref<3128x16xf32, #tpu.memory_space<hbm>>) target_semaphore(%run_scoped3A : memref<!tpu.dma_semaphore, #tpu.memory_space<semaphore_mem>>)
      %dma_wait3A = arith.constant 0 : i32
      %dma_wait3A_62 = tpu.memref_slice %arg7[%arg0, %mul3A_56, %dma_wait3A] : memref<2x50048x16xf32, #tpu.memory_space<hbm>> -> memref<1x3128x16xf32, #tpu.memory_space<hbm>>
      %dma_wait3A_63 = tpu.memref_squeeze %dma_wait3A_62 : memref<1x3128x16xf32, #tpu.memory_space<hbm>> -> memref<3128x16xf32, #tpu.memory_space<hbm>>
      %dma_wait3A_64 = arith.constant 0 : i32
      %dma_wait3A_65 = tpu.memref_slice %arg8[%mul3A_54, %dma_wait3A_64] : memref<50048x16xf32, #tpu.memory_space<vmem_shared>> -> memref<3128x16xf32, #tpu.memory_space<vmem_shared>>
      tpu.wait_dma2 semaphore(%run_scoped3A : memref<!tpu.dma_semaphore, #tpu.memory_space<semaphore_mem>>) src(%dma_wait3A_65 : memref<3128x16xf32, #tpu.memory_space<vmem_shared>>) dst(%dma_wait3A_63 : memref<3128x16xf32, #tpu.memory_space<hbm>>)
      tpu.yield
    }) : () -> ()
    return
  }
}

module attributes {stable_mosaic.version = 14 : i64} {
  func.func @body(%arg0: i32, %arg1: memref<3128x128xf32, #tpu.memory_space<vmem>>, %arg2: memref<3128x128xf32, #tpu.memory_space<vmem>>, %arg3: memref<3128x128xf32, #tpu.memory_space<vmem>>, %arg4: memref<3128x128xf32, #tpu.memory_space<vmem>>) attributes {dimension_semantics = [#tpu.dimension_semantics<arbitrary>], iteration_bounds = array<i64: 2>, scalar_prefetch = 0 : i64, scratch_operands = 0 : i64, tpu.core_type = #tpu.core_type<tc>, window_params = [{transform_indices = @transform_0, window_bounds = array<i64: 3128, 128>}, {transform_indices = @transform_1, window_bounds = array<i64: 3128, 128>}, {transform_indices = @transform_2, window_bounds = array<i64: 3128, 128>}, {transform_indices = @transform_3, window_bounds = array<i64: 3128, 128>}]} {
    %get3A = arith.constant 0 : index
    %get3A_0 = arith.constant 0 : index
    %get3A_1 = vector.load %arg1[%get3A, %get3A_0] : memref<3128x128xf32, #tpu.memory_space<vmem>>, vector<3128x128xf32>
    %get3A_2 = arith.constant 0 : index
    %get3A_3 = arith.constant 0 : index
    %get3A_4 = vector.load %arg2[%get3A_2, %get3A_3] : memref<3128x128xf32, #tpu.memory_space<vmem>>, vector<3128x128xf32>
    %add3A = arith.addf %get3A_1, %get3A_4 : vector<3128x128xf32>
    %get3A_5 = arith.constant 0 : index
    %get3A_6 = arith.constant 0 : index
    %get3A_7 = vector.load %arg3[%get3A_5, %get3A_6] : memref<3128x128xf32, #tpu.memory_space<vmem>>, vector<3128x128xf32>
    %add3A_8 = arith.addf %add3A, %get3A_7 : vector<3128x128xf32>
    %swap3A = arith.constant 0 : index
    %swap3A_9 = arith.constant 0 : index
    %swap3A_10 = vector.load %arg4[%swap3A, %swap3A_9] : memref<3128x128xf32, #tpu.memory_space<vmem>>, vector<3128x128xf32>
    tpu.vector_store %arg4[%swap3A, %swap3A_9], %add3A_8 {strides = array<i32>} : memref<3128x128xf32, #tpu.memory_space<vmem>>, vector<3128x128xf32>,
    return
  }
  func.func @transform_0(%arg0: i32) -> (i32, i32) {
    %c0_i32 = arith.constant 0 : i32
    %c0_i32_0 = arith.constant 0 : i32
    return %arg0, %c0_i32 : i32, i32
  }
  func.func @transform_1(%arg0: i32) -> (i32, i32) {
    %c0_i32 = arith.constant 0 : i32
    %c0_i32_0 = arith.constant 0 : i32
    return %arg0, %c0_i32 : i32, i32
  }
  func.func @transform_2(%arg0: i32) -> (i32, i32) {
    %c0_i32 = arith.constant 0 : i32
    %c0_i32_0 = arith.constant 0 : i32
    return %arg0, %c0_i32 : i32, i32
  }
  func.func @transform_3(%arg0: i32) -> (i32, i32) {
    %c0_i32 = arith.constant 0 : i32
    %c0_i32_0 = arith.constant 0 : i32
    return %arg0, %c0_i32 : i32, i32
  }
}

</mosaic_0001>

<sc_bundles>
// kernel: kernel.4.cloned.1.call-start
scs
__scs_entry_jumppad:
0x0: {  	(pc) =	sbr.rel $0x88, $3  }
0x1: {  	(tag) =	ssettag $0x0;
	lr =	simm.s32 $0x1  }
0x2: {  	[smem:$0x3F9D] =	sst lr;
	_ =	strace $0xD0000000  }
0x3: {  	_ = 	snop  }
0x4: {  	_ = 	snop  }
0x5: {  	_ = 	snop  }
0x6: {  	_ = 	snop  }
0x7: {  	_ = 	snop  }
__scs_overlays_trampoline_lowered:
0x8: {  	[smem:$0x3FAC] =	sst s0  }
0x9: {  	[smem:$0x3FAD] =	sst s1  }
0xa: {  	[smem:$0x3FAE] =	sst s2  }
0xb: {  	[smem:$0x3FAF] =	sst s3  }
0xc: {  	[smem:$0x3FB0] =	sst s4  }
0xd: {  	[smem:$0x3FB1] =	sst s5  }
0xe: {  	[smem:$0x3FB2] =	sst s6  }
0xf: {  	[smem:$0x3FB3] =	sst s7  }
0x10: {  	[smem:$0x3FB4] =	sst s8  }
0x11: {  	[smem:$0x3FB5] =	sst s9;
	s0 =	simm.s32 @!p0 $0x0  }
0x12: {  	s1 =	sld [smem:$0x3F9B];
	s0 =	simm.s32 @p0 $0x1  }
0x13: {  	[smem:$0x3FB6] =	sst s0;
	s0 =	simm.s32 @!p1 $0x0  }
0x14: {  	s2 =	sld [smem:$0x3F9A];
	s0 =	simm.s32 @p1 $0x1  }
0x15: {  	[smem:$0x3FB7] =	sst s0;
	s0 =	simm.s32 @!p2 $0x0  }
0x16: {  	s3 =	sld [smem:$0x3FDB];
	s0 =	simm.s32 @p2 $0x1  }
0x17: {  	s4 =	simm.s32 $0x1BF5;
	[smem:$0x3FB9] =	sst s0  }
0x18: {  	s0 =	sld [smem:$0x3F9C];
	_ =	swait.ge [sflag:s4], $0x0  }
0x19: {  	s7 =	sld [smem:$0x3F9D]  }
0x1a: {  	s8 =	sadd.s32 $0xFFFFE003, lr  }
0x1b: {  	s9 =	sadd.s32 $0xFFFFFEF7, lr;
	s5 =	simm.s32 $0xFFFFFFFF;
	p2 =	slt.u32 s8, $0xFFFFF086  }
0x1c: {  	p1 =	slt.u32 s9, $0xF7A;
	s5 =	simm.s32 @!p2 $0x0  }
0x1d: {  	s5 =	simm.s32 @p1 $0x1;
	p0 =	seq.s32 s7, s2  }
0x1e: {  	s7 =	smul.u32 @!p0 $0xF7A, s2;
	p2 =	seq.s32 @!p0 s5, $0x0  }
0x1f: {  	s9 =	smul.u32 $0xF7A, s1;
	s8 =	simm.s32 @!p0 $0x1BF5;
	p2 =	por !p2, p0  }
0x20: {  	[sflag:s8] =	ssyncset.s32 @!p0 $0xFFFFF086;
	s6 =	sadd.s32 @!p0 s3, s7;
	s7 =	simm.s32 @!p0 $0x108  }
0x21: {  	s3 =	sadd.s32 s3, s9;
	s6 =	sadd.s32 @!p0 $0x88, s6;
	s7 =	simm.s32 @p2 $0x1082  }
0x22: {  	[simem:s7], [sflag:s8] =	dma.local @!p0 [hbm:s6], $0xF7A  }
0x23: {  	s9 =	sor.u32 $0xD0000000, s2;
	s6 =	simm.s32 $0x108;
	_ =	swait.ge @!p0 [sflag:s8], $0x0  }
0x24: {  	s3 =	sadd.s32 $0x88, s3;
	s6 =	simm.s32 @!p1 $0x1082;
	[sflag:s4] =	ssyncset.s32 $0xFFFFF086  }
0x25: {  	[simem:s6], [sflag:s4] =	dma.local [hbm:s3], $0xF7A  }
0x26: {  	[smem:$0x3F9D] =	sst s1;
	(tag) =	ssettag s2;
	_ =	strace s9  }
0x27: {  	s1 =	sld [smem:$0x3FAD]  }
0x28: {  	s2 =	sld [smem:$0x3FAE]  }
0x29: {  	s4 =	sld [smem:$0x3FB0]  }
0x2a: {  	p0 =	seq.s32 s5, $0x0;
	s5 =	sld [smem:$0x3FB1]  }
0x2b: {  	s6 =	sld [smem:$0x3FB2]  }
0x2c: {  	s7 =	sld [smem:$0x3FB3]  }
0x2d: {  	s3 =	simm.s32 $0x108;
	s8 =	sld [smem:$0x3FB4]  }
0x2e: {  	s3 =	simm.s32 @!p0 $0x1082;
	s9 =	sld [smem:$0x3FB5]  }
0x2f: {  	lr =	sadd.s32 s0, s3;
	s0 =	sld [smem:$0x3FAC]  }
0x30: {  	s3 =	sld [smem:$0x3FAF]  }
0x31: {  	[smem:$0x3FB8] =	sst s10  }
0x32: {  	s10 =	sld [smem:$0x3FB6];
	_ =	sdelay $0x3  }
0x33: {  	p0 =	seq.s32 s10, $0x1;
	s10 =	sld [smem:$0x3FB8];
	_ =	sdelay $0x3  }
0x34: {  	[smem:$0x3FB8] =	sst s10  }
0x35: {  	s10 =	sld [smem:$0x3FB7];
	_ =	sdelay $0x3  }
0x36: {  	p1 =	seq.s32 s10, $0x1;
	s10 =	sld [smem:$0x3FB8];
	_ =	sdelay $0x3  }
0x37: {  	[smem:$0x3FB8] =	sst s10  }
0x38: {  	s10 =	sld [smem:$0x3FB9]  }
0x39: {  	_ = 	snop;
	(pc) =	sbr.ind lr, $3  }
0x3a: {  	_ = 	snop  }
0x3b: {  	_ = 	snop  }
0x3c: {  	p2 =	seq.s32 s10, $0x1;
	s10 =	sld [smem:$0x3FB8]  }
0x3d: {  	_ =	shalt  }
0x3e: {  	_ =	shalt  }
0x3f: {  	_ =	shalt  }
0x40: {  	_ =	shalt  }
0x41: {  	_ =	shalt  }
0x42: {  	_ =	shalt  }
0x43: {  	_ =	shalt  }
0x44: {  	_ =	shalt  }
0x45: {  	_ =	shalt  }
0x46: {  	_ =	shalt  }
0x47: {  	_ =	shalt  }
0x48: {  	_ =	shalt  }
0x49: {  	_ =	shalt  }
0x4a: {  	_ =	shalt  }
0x4b: {  	_ =	shalt  }
0x4c: {  	_ =	shalt  }
0x4d: {  	_ =	shalt  }
0x4e: {  	_ =	shalt  }
0x4f: {  	_ =	shalt  }
0x50: {  	_ =	shalt  }
0x51: {  	_ =	shalt  }
0x52: {  	_ =	shalt  }
0x53: {  	_ =	shalt  }
0x54: {  	_ =	shalt  }
0x55: {  	_ =	shalt  }
0x56: {  	_ =	shalt  }
0x57: {  	_ =	shalt  }
0x58: {  	_ =	shalt  }
0x59: {  	_ =	shalt  }
0x5a: {  	_ =	shalt  }
0x5b: {  	_ =	shalt  }
0x5c: {  	_ =	shalt  }
0x5d: {  	_ =	shalt  }
0x5e: {  	_ =	shalt  }
0x5f: {  	_ =	shalt  }
0x60: {  	_ =	shalt  }
0x61: {  	_ =	shalt  }
0x62: {  	_ =	shalt  }
0x63: {  	_ =	shalt  }
0x64: {  	_ =	shalt  }
0x65: {  	_ =	shalt  }
0x66: {  	_ =	shalt  }
0x67: {  	_ =	shalt  }
0x68: {  	_ =	shalt  }
0x69: {  	_ =	shalt  }
0x6a: {  	_ =	shalt  }
0x6b: {  	_ =	shalt  }
0x6c: {  	_ =	shalt  }
0x6d: {  	_ =	shalt  }
0x6e: {  	_ =	shalt  }
0x6f: {  	_ =	shalt  }
0x70: {  	_ =	shalt  }
0x71: {  	_ =	shalt  }
0x72: {  	_ =	shalt  }
0x73: {  	_ =	shalt  }
0x74: {  	_ =	shalt  }
0x75: {  	_ =	shalt  }
0x76: {  	_ =	shalt  }
0x77: {  	_ =	shalt  }
0x78: {  	_ =	shalt  }
0x79: {  	_ =	shalt  }
0x7a: {  	_ =	shalt  }
0x7b: {  	_ =	shalt  }
0x7c: {  	_ =	shalt  }
0x7d: {  	_ =	shalt  }
0x7e: {  	_ =	shalt  }
0x7f: {  	_ =	shalt  }
0x80: {  	_ =	shalt  }
0x81: {  	_ =	shalt  }
0x82: {  	_ =	shalt  }
0x83: {  	_ =	shalt  }
0x84: {  	_ =	shalt  }
0x85: {  	_ =	shalt  }
0x86: {  	_ =	shalt  }
0x87: {  	_ =	shalt  }
.Lfunc_end0:
.L_simem_size_0:
called_computation_lowered:
.L_overlay_start_0:
0x88: {  	s2 =	sld [smem:$0x3FD9]  }
0x89: {  	s3 =	sld [smem:$0x3FFE];
	_ =	sdelay $0x1  }
0x8a: {  	s1 =	srdreg.scid  }
0x8b: {  	s0 =	sand.u32 $0x1, s1  }
0x8c: {  	s17 =	sshll.u32 s0, $0xA;
	s2 =	sadd.s32 s3, s2  }
0x8d: {  	s2 =	sadd.s32 s2, s17  }
0x8e: {  	[smem:$0x3FC4] =	sst s2  }
0x8f: {  	_ = 	snop  }
0x90: {  	s2 =	sld [smem:$0x3FD0];
	(tm) =	ssettm $0x1  }
0x91: {  	s18 =	sld [smem:$0x3FFB];
	_ =	sdelay $0x3  }
0x92: {  	_ =	strace s18  }
0x93: {  	s3 =	sld [smem:$0x3FFC];
	_ =	sdelay $0x3  }
0x94: {  	_ =	strace s3  }
0x95: {  	s3 =	sld [smem:$0x3FFD];
	_ =	sdelay $0x3  }
0x96: {  	_ =	strace s3  }
0x97: {  	_ =	strace $0x8FFFFFFF  }
0x98: {  	s19 =	sld [smem:$0x3FDB];
	_ =	sdelay $0x1  }
0x99: {  	s4 =	simm.s32 $_scs_section_size  }
0x9a: {  	s5 =	simm.s32 $_size__tile_overlayer_lowered;
	s6 =	simm.s32 $_tile_overlayer_lowered  }
0x9b: {  	s22 =	simm.s32 $0x1BFF;
	s21 =	sshll.u32 s6, $0x1;
	s3 =	sadd.s32 s4, s19  }
0x9c: {  	s7 =	simm.s32 $0x0;
	s20 =	sshll.u32 s5, $0x1;
	s5 =	sadd.s32 s21, s3  }
0x9d: {  	[timem:s7], [sflag:s22] =	dma.local [hbm:s5], s20  }
0x9e: {  	_ =	swait.ge [sflag:s22], s20  }
0x9f: {  	s4 =	ssub.s32 $0x0, s20;
	[sflag:s22] =	ssyncset.done $0x0  }
0xa0: {  	[sflag:s22] =	ssyncadd.s32 s4;
	_ =	sdelay $0x1  }
0xa1: {  	s23 =	simm.s32 $0x1B8B  }
0xa2: {  	_ =	swait.ge [sflag:s23], $0x1  }
0xa3: {  	[sflag:s23] =	ssyncset.done $0x0  }
0xa4: {  	s25 =	simm.s32 $0x1B8E;
	s24 =	sld [smem:$0x3FFE];
	[sflag:s23] =	ssyncadd.s32 $0xFFFFFFFF  }
0xa5: {  	s26 =	simm.s32 $execute0_lowered;
	[smem:$0x3FD2] =	sst s25  }
0xa6: {  	s5 =	sshll.u32 s26, $0x1;
	_ =	strace $0x80000046;
	[dreg:$0x1] =	wrdreg $0xFFFFFFFF  }
0xa7: {  	s28 =	simm.s32 $_size_execute0_lowered;
	s3 =	sadd.s32 s3, s5;
	[dreg:$0x0] =	wrdreg $0x0  }
0xa8: {  	s5 =	sshll.u32 s28, $0x1;
	[dreg:$0x2] =	wrdreg s3  }
0xa9: {  	[dreg:$0x3] =	wrdreg s5  }
0xaa: {  	[dreg:$0x4] =	wrdreg $0xC0  }
0xab: {  	_ =	task [dreg:s7], $0x5FFFF  }
0xac: {  	[dreg:$0x1] =	wrdreg $0xFFFFFFFF  }
0xad: {  	[dreg:$0x0] =	wrdreg $0x60  }
0xae: {  	[dreg:$0x2] =	wrdreg s2  }
0xaf: {  	[dreg:$0x3] =	wrdreg s24  }
0xb0: {  	[dreg:$0x4] =	wrdreg $0x0  }
0xb1: {  	[dreg:$0x5] =	wrdreg $0x9  }
0xb2: {  	_ =	task.clear_ibuf [dreg:s7], $0x6FFFF;
	_ =	strace $0x90000046  }
0xb3: {  	s29 =	simm.s32 $0x9;
	_ =	strace $0x80000048  }
0xb4: {  	_ =	swait.ge [sflag:s29], $0x1  }
0xb5: {  	[sflag:s29] =	ssyncadd.s32 $0xFFFFFFFF  }
0xb6: {  	_ =	strace $0x90000048  }
0xb7: {  	_ =	sfence  }
0xb8: {  	s30 =	sld [smem:$0x0];
	_ =	sdelay $0x2  }
0xb9: {  	s31 =	sshll.u32 s1, $0xD;
	s1 =	sshrl.u32 s1, $0x2  }
0xba: {  	s3 =	sand.u32 $0x4000, s31;
	s1 =	sadd.s32 s1, s30  }
0xbb: {  	s0 =	sor.u32 s3, s0;
	s1 =	sshll.u32 s1, $0x11  }
0xbc: {  	s0 =	sor.u32 s1, s0  }
0xbd: {  	s0 =	sadd.s32 $0x8F2B, s0  }
0xbe: {  	[sflag:s0] =	ssyncadd.remote.s32 $0x1  }
0xbf: {  	_ =	sfence.sel $0xFFFF  }
0xc0: {  	[dreg:$0x0] =	wrdreg $0xFFFFFFFF;
	(pc) =	sbr.abs _section_cstart, $3  }
0xc1: {  	[dreg:$0x1] =	wrdreg $0xFFFFFFFF  }
0xc2: {  	_ =	task.clear_ibuf [dreg:s7], $0x2FFFF;
	_ =	strace $0x9FFFFFFF  }
0xc3: {  	(tm) =	ssettm $0x7FFFFFFF  }
tec
execute0_lowered:
.L_overlay_start_1:
0x0: {  	(tag) =	ssettag $0x1  }
0x1: {  	s1 =	rddreg [dreg:$0x0]  }
0x2: {  	s0 =	rddreg [dreg:$0x1]  }
0x3: {  	s3 =	rddreg [dreg:$0x2];
	s2 =	srdreg.scid  }
0x4: {  	s12 =	stileid.u32;
	s4 =	simm.s32 $0x0;
	s17 =	simm.s32 $0x4  }
0x5: {  	s21 =	simm.s32 $0x1;
	s22 =	simm.s32 $0x80;
	s23 =	simm.s32 $0x15980  }
0x6: {  	s24 =	simm.s32 $0x2;
	s25 =	simm.s32 $0x3;
	s26 =	simm.s32 $0x0  }
0x7: {  	s2 =	sand.u32 $0x1, s2;
	s8 =	smul.u32 $0xC380, s12;
	[smem:$0x7FF] =	sst s4  }
0x8: {  	s5 =	sadd.s32 $0x94E00, s0;
	s6 =	sadd.s32 $0x62E00, s0;
	s7 =	sadd.s32 $0x30E00, s0  }
0x9: {  	s11 =	sshll.u32 s12, $0x1;
	s31 =	sshll.u32 s12, $0x6;
	s9 =	smul.u32 $0xC3800, s2  }
0xa: {  	_ =	strace $0x80000047;
	s10 =	ssub.s32 $0x2, s2;
	s2 =	sor.u32 s2, s11  }
0xb: {  	s29 =	sshrl.u32 s10, $0x1;
	s30 =	sshrl.u32 s8, $0x3;
	s13 =	smul.u32 $0x1900, s2  }
0xc: {  	s9 =	sadd.s32 s8, s9;
	s15 =	ssub.s32 s10, s29;
	s8 =	sadd.s32 s8, s3  }
0xd: {  	s10 =	smul.u32 $0x190, s2;
	s9 =	sshrl.u32 s9, $0x3;
	s11 =	sadd.s32 s5, s13  }
0xe: {  	s12 =	sadd.s32 s6, s13;
	s13 =	sadd.s32 s7, s13;
	s15 =	smax.u32 s15, $0x1  }
0xf: {  	s16 =	sshrl.u32 s8, $0x3;
	s14 =	sadd.s32 s9, s0;
	s0 =	sadd.s32 s0, s30  }
0x10: {  	s9 =	sor.u32 $0x1C04, s31;
	[dreg:$0x4] =	wrdreg s0;
	s14 =	sadd.s32 $0xC6E00, s14  }
.LBB2_1:
0x11: {  	s0 =	rddreg [dreg:$0x4]  }
0x12: {  	[spmem:s16], [sflag:s9] =	dma.local [hbm:s0], $0x1870  }
0x13: {  	_ =	swait.ge [sflag:s17], $0x1870  }
0x14: {  	[sflag:s17] =	ssyncset.done $0x0  }
0x15: {  	[sflag:s17] =	ssyncadd.s32 $0xFFFFE790  }
0x16: {  	s29 =	simm.s32 $0xC380;
	[bflag:$0x0] =	sbarrier.arrive $0xFFFF  }
0x17: {  	[tilespmem:s29], [sflag:$0x1] =	stream.linear.gather [hbm4b:s11+s4], $0x1900, $0x38;
	[tilespmem:$0x16980] =	vst v63  }
0x18: {  	s30 =	simm.s32 $0xF580  }
0x19: {  	[tilespmem:s30], [sflag:$0x1] =	stream.linear.gather [hbm4b:s12+s4], $0x1900, $0x38;
	[tilespmem:$0x16980] =	vst v63  }
0x1a: {  	s31 =	simm.s32 $0x12780;
	s28 =	simm.s32 $0x0  }
0x1b: {  	[tilespmem:s31], [sflag:$0x1] =	stream.linear.gather [hbm4b:s13+s4], $0x1900, $0x38;
	[tilespmem:$0x16980] =	vst v63  }
.LBB2_2:
0x1c: {  	_ =	swait.ge [sflag:s21], $0x1900  }
0x1d: {  	s0 =	smov.u32 s28;
	[sflag:s21] =	ssyncset.done $0x0  }
0x1e: {  	s28 =	sadd.s32 $0x1, s28;
	p0 =	seq.s32 s0, $0x7;
	[sflag:s21] =	ssyncadd.s32 $0xFFFFE700  }
0x1f: {  	s2 =	smul.u32 @!p0 $0x32, s28;
	s8 =	sand.u32 @!p0 $0x1, s28;
	_ =	swait.ge [sflag:s21], $0x1900  }
0x20: {  	s20 =	simm.s32 @!p0 $0x0;
	p1 =	seq.s32 @!p0 s8, $0x1;
	[sflag:s21] =	ssyncset.done $0x0  }
0x21: {  	s8 =	simm.s32 @!p0 $0x1900;
	s2 =	sadd.s32 @!p0 s10, s2;
	[sflag:s21] =	ssyncadd.s32 $0xFFFFE700  }
0x22: {  	p1 =	por !p1, p0;
	s2 =	sshll.u32 @!p0 s2, $0x4;
	_ =	swait.ge [sflag:s21], $0x1900  }
0x23: {  	s8 =	simm.s32 @p1 $0x0;
	s2 =	sand.u32 @!p0 $0x1FFFFFE0, s2;
	[sflag:s21] =	ssyncset.done $0x0  }
0x24: {  	s18 =	sadd.s32 @!p0 $0xC380, s8;
	s19 =	sadd.s32 @!p0 s5, s2;
	[sflag:s21] =	ssyncadd.s32 $0xFFFFE700  }
0x25: {  	[tilespmem:s18], [sflag:$0x1] =	stream.linear.gather @!p0 [hbm4b:s19+s20], $0x1900, $0x38;
	[tilespmem:$0x16980] =	vst v63  }
0x26: {  	s18 =	sadd.s32 @!p0 $0xF580, s8;
	s19 =	sadd.s32 @!p0 s6, s2  }
0x27: {  	[tilespmem:s18], [sflag:$0x1] =	stream.linear.gather @!p0 [hbm4b:s19+s20], $0x1900, $0x38;
	[tilespmem:$0x16980] =	vst v63  }
0x28: {  	s0 =	sand.u32 $0x1, s0;
	s8 =	sadd.s32 @!p0 $0x12780, s8;
	s2 =	sadd.s32 @!p0 s7, s2  }
0x29: {  	[tilespmem:s8], [sflag:$0x1] =	stream.linear.gather @!p0 [hbm4b:s2+s20], $0x1900, $0x38;
	[tilespmem:$0x16980] =	vst v63  }
0x2a: {  	p0 =	seq.s32 s0, $0x1;
	s0 =	simm.s32 $0x1900  }
0x2b: {  	s18 =	simm.s32 $0x0;
	s0 =	simm.s32 @!p0 $0x0  }
0x2c: {  	s29 =	sadd.s32 $0xC380, s0;
	s30 =	sadd.s32 $0x12780, s0;
	s31 =	sadd.s32 $0xF580, s0  }
0x2d: {  	[tilespmem:s23], [sflag:$0x2] =	stream.indirect.gather [hbm4b:s1+s22], $0x10, s29, s22, $0xb8;
	[tilespmem:$0x16980] =	vst v63  }
.LBB2_3:
0x2e: {  	p0 =	seq.s32 s18, $0x0  }
0x2f: {  	p1 =	seq.s32 @!p0 s18, $0x31  }
0x30: {  	_ =	swait.ge [sflag:s24], $0x800;
	p1 =	por p0, !p1  }
.Ltmp0:
0x31: {  	[sflag:s24] =	ssyncset.done $0x0;
	(pc) =	sbr.rel @!p1 .LBB2_5-.Ltmp0, $4  }
0x32: {  	s0 =	simm.s32 @!p0 $0x3;
	[sflag:s24] =	ssyncadd.s32 $0xFFFFF800  }
0x33: {  	_ =	swait.ge @!p0 [sflag:s0], $0x800  }
0x34: {  	[sflag:s0] =	ssyncset.done @!p0 $0x0  }
0x35: {  	[sflag:s0] =	ssyncadd.s32 @!p0 $0xFFFFF800;
	s0 =	simm.s32 @!p0 $0x32  }
0x36: {  	s0 =	sadd.s32 @!p0 $0x1, s18  }
0x37: {  	s0 =	simm.s32 @p0 $0x1  }
0x38: {  	s2 =	sshll.u32 s0, $0xB;
	s8 =	sshll.u32 s0, $0x7  }
0x39: {  	s2 =	sand.u32 $0x800, s2;
	s8 =	sand.u32 $0x3FFFFF80, s8  }
0x3a: {  	s2 =	sadd.s32 $0x15980, s2;
	s8 =	sadd.s32 s8, s29  }
0x3b: {  	[tilespmem:s2], [sflag:$0x2] =	stream.indirect.gather [hbm4b:s1+s22], $0x10, s8, s22, $0xb8;
	[tilespmem:$0x16980] =	vst v63  }
.LBB2_5:
0x3c: {  	s2 =	sshll.u32 s18, $0x9  }
0x3d: {  	s2 =	sshrl.u32 s2, $0x2  }
0x3e: {  	s8 =	sadd.s32 s2, s30  }
0x3f: {  	v0 =	vmov s8;
	_ =	sdelay $0x3  }
0x40: {  	s20 =	sand.u32 $0x1, s18;
	s19 =	simm.s32 $0x0  }
0x41: {  	s8 =	sshll.u32 s20, $0xB;
	v1 =	vld.idx.msk [tilespmem:v0+s19+$0x0 ss:$0x1], $0xffff  }
0x42: {  	s19 =	sadd.s32 $0x15A00, s8  }
0x43: {  	v2 =	vld [tilespmem:s19+$0xFFFFFF80]  }
0x44: {  	v3 =	vld [tilespmem:s19+$0xFFFFFF90]  }
0x45: {  	v4 =	vld [tilespmem:s19+$0xFFFFFFA0]  }
0x46: {  	v5 =	vld [tilespmem:s19+$0xFFFFFFB0];
	v6 =	vbroadcast v1, $0x0  }
0x47: {  	v9 =	vld [tilespmem:s19+$0xFFFFFFD0];
	v7 =	vbroadcast v1, $0x1  }
0x48: {  	v8 =	vld [tilespmem:s19+$0xFFFFFFC0];
	v10 =	vbroadcast v1, $0x2;
	v2 =	vmul.f32 v2, v6  }
0x49: {  	v49 =	vld [tilespmem:s19+$0xFFFFFFE0];
	v48 =	vbroadcast v1, $0x3;
	v3 =	vmul.f32 v3, v7  }
0x4a: {  	v51 =	vld [tilespmem:s19+$0x10];
	v50 =	vbroadcast v1, $0x5;
	v4 =	vmul.f32 v4, v10;
	[tilespmem:s19+$0xFFFFFF80] =	vst v2  }
0x4b: {  	v11 =	vld [tilespmem:s19+$0xFFFFFFF0];
	v5 =	vmul.f32 v5, v48;
	v2 =	vbroadcast v1, $0x4;
	[tilespmem:s19+$0xFFFFFF90] =	vst v3  }
0x4c: {  	v12 =	vbroadcast v1, $0x6;
	v6 =	vmul.f32 v9, v50;
	v3 =	vld [tilespmem:s19+$0x0];
	[tilespmem:s19+$0xFFFFFFA0] =	vst v4  }
0x4d: {  	v57 =	vld [tilespmem:s19+$0x50];
	v55 =	vbroadcast v1, $0x9;
	[tilespmem:s19+$0xFFFFFFB0] =	vst v5;
	v2 =	vmul.f32 v8, v2  }
0x4e: {  	v53 =	vld [tilespmem:s19+$0x20];
	v52 =	vbroadcast v1, $0x7;
	v7 =	vmul.f32 v49, v12;
	[tilespmem:s19+$0xFFFFFFD0] =	vst v6  }
0x4f: {  	v54 =	vld [tilespmem:s19+$0x30];
	v59 =	vmul.f32 v51, v55;
	[tilespmem:s19+$0xFFFFFFC0] =	vst v2;
	v2 =	vbroadcast v1, $0x8  }
0x50: {  	v56 =	vld [tilespmem:s19+$0x40];
	v62 =	vbroadcast v1, $0xD;
	v4 =	vmul.f32 v11, v52;
	[tilespmem:s19+$0xFFFFFFE0] =	vst v7  }
0x51: {  	v60 =	vld [tilespmem:s19+$0x60];
	v58 =	vbroadcast v1, $0xA;
	[tilespmem:s19+$0x10] =	vst v59;
	v2 =	vmul.f32 v3, v2  }
0x52: {  	v61 =	vld [tilespmem:s19+$0x70];
	v5 =	vmul.f32 v57, v62;
	[tilespmem:s19+$0xFFFFFFF0] =	vst v4;
	v3 =	vbroadcast v1, $0xB  }
0x53: {  	v8 =	vmul.f32 v53, v58;
	[tilespmem:s19+$0x0] =	vst v2;
	v2 =	vbroadcast v1, $0xC  }
0x54: {  	v63 =	vbroadcast v1, $0xE;
	[tilespmem:s19+$0x50] =	vst v5;
	v3 =	vmul.f32 v54, v3  }
0x55: {  	[tilespmem:s19+$0x20] =	vst v8;
	v1 =	vbroadcast v1, $0xF;
	v2 =	vmul.f32 v56, v2  }
0x56: {  	[tilespmem:s19+$0x30] =	vst v3;
	v3 =	vmul.f32 v60, v63  }
0x57: {  	s20 =	sshll.u32 s18, $0xB;
	v1 =	vmul.f32 v61, v1;
	[tilespmem:s19+$0x40] =	vst v2  }
0x58: {  	s8 =	sand.u32 $0x800, s20;
	[tilespmem:s19+$0x60] =	vst v3  }
0x59: {  	s20 =	simm.s32 $0x80;
	s18 =	sadd.s32 $0x15980, s8;
	s8 =	simm.s32 $0x10;
	[tilespmem:s19+$0x70] =	vst v1  }
.LBB2_6:
0x5a: {  	p0 =	sne.s32 s20, $0x1C0;
	v1 =	vld.idx.msk [tilespmem:v0+s8+$0x0 ss:$0x1], $0xffff;
	s19 =	sadd.s32 $0x100, s19  }
0x5b: {  	v2 =	vld [tilespmem:s19+$0xFFFFFFB0]  }
0x5c: {  	v3 =	vld [tilespmem:s19+$0xFFFFFF90]  }
0x5d: {  	v4 =	vld [tilespmem:s19+$0xFFFFFF80]  }
0x5e: {  	v5 =	vld [tilespmem:s19+$0xFFFFFFA0]  }
0x5f: {  	v6 =	vld [tilespmem:s19+$0xFFFFFFF0]  }
0x60: {  	v7 =	vbroadcast v1, $0x0;
	v8 =	vbroadcast v1, $0x1;
	v9 =	vld [tilespmem:s19+$0xFFFFFFD0]  }
0x61: {  	v10 =	vbroadcast v1, $0x2;
	v11 =	vbroadcast v1, $0x3;
	v12 =	vld [tilespmem:s19+$0xFFFFFFC0]  }
0x62: {  	v3 =	vmul.f32 v3, v8;
	v4 =	vmul.f32 v4, v7;
	v7 =	vld [tilespmem:s19+$0xFFFFFFE0]  }
0x63: {  	v2 =	vmul.f32 v2, v11;
	v5 =	vmul.f32 v5, v10;
	v8 =	vld [tilespmem:s19+$0x30]  }
0x64: {  	v10 =	vbroadcast v1, $0x5;
	[tilespmem:s19+$0xFFFFFF80] =	vst v4;
	v4 =	vbroadcast v1, $0x4;
	v11 =	vld [tilespmem:s19+$0x10]  }
0x65: {  	v13 =	vbroadcast v1, $0x7;
	[tilespmem:s19+$0xFFFFFF90] =	vst v3;
	v3 =	vbroadcast v1, $0x6;
	v14 =	vld [tilespmem:s19+$0x0]  }
0x66: {  	[tilespmem:s19+$0xFFFFFFA0] =	vst v5;
	v4 =	vmul.f32 v12, v4;
	v5 =	vmul.f32 v9, v10;
	v9 =	vld [tilespmem:s19+$0x20]  }
0x67: {  	[tilespmem:s19+$0xFFFFFFB0] =	vst v2;
	v2 =	vmul.f32 v7, v3;
	v3 =	vmul.f32 v6, v13;
	v6 =	vld [tilespmem:s19+$0x70]  }
0x68: {  	v7 =	vbroadcast v1, $0x9;
	[tilespmem:s19+$0xFFFFFFC0] =	vst v4;
	v4 =	vbroadcast v1, $0x8;
	v10 =	vld [tilespmem:s19+$0x50]  }
0x69: {  	v12 =	vbroadcast v1, $0xB;
	[tilespmem:s19+$0xFFFFFFD0] =	vst v5;
	v5 =	vbroadcast v1, $0xA;
	v13 =	vld [tilespmem:s19+$0x40]  }
0x6a: {  	[tilespmem:s19+$0xFFFFFFE0] =	vst v2;
	v2 =	vmul.f32 v14, v4;
	v4 =	vmul.f32 v11, v7;
	v7 =	vld [tilespmem:s19+$0x60]  }
0x6b: {  	[tilespmem:s19+$0xFFFFFFF0] =	vst v3;
	v3 =	vmul.f32 v9, v5;
	v5 =	vmul.f32 v8, v12  }
0x6c: {  	v8 =	vbroadcast v1, $0xD;
	[tilespmem:s19+$0x0] =	vst v2;
	v2 =	vbroadcast v1, $0xC  }
0x6d: {  	[tilespmem:s19+$0x10] =	vst v4;
	v4 =	vbroadcast v1, $0xE;
	v1 =	vbroadcast v1, $0xF  }
0x6e: {  	[tilespmem:s19+$0x20] =	vst v3;
	v2 =	vmul.f32 v13, v2;
	v3 =	vmul.f32 v10, v8  }
.Ltmp1:
0x6f: {  	[tilespmem:s19+$0x30] =	vst v5;
	v4 =	vmul.f32 v7, v4;
	v1 =	vmul.f32 v6, v1;
	(pc) =	sbr.rel @p0 .LBB2_6-.Ltmp1, $4  }
0x70: {  	[tilespmem:s19+$0x40] =	vst v2  }
0x71: {  	[tilespmem:s19+$0x50] =	vst v3  }
0x72: {  	[tilespmem:s19+$0x60] =	vst v4  }
0x73: {  	s8 =	sshra.s32 s20, $0x2;
	s20 =	sadd.s32 $0x40, s20;
	[tilespmem:s19+$0x70] =	vst v1  }
0x74: {  	_ =	sdelay $0x3  }
0x75: {  	v0 =	vld.idx.msk [tilespmem:v0+s8+$0x0 ss:$0x1], $0xffff;
	_ =	sdelay $0x3  }
0x76: {  	s19 =	sadd.s32 $0x100, s19  }
0x77: {  	v1 =	vld [tilespmem:s19+$0xFFFFFF80];
	v5 =	vbroadcast v0, $0x0  }
0x78: {  	v2 =	vld [tilespmem:s19+$0xFFFFFF90];
	v6 =	vbroadcast v0, $0x1;
	v9 =	vbroadcast v0, $0x2  }
0x79: {  	v3 =	vld [tilespmem:s19+$0xFFFFFFA0];
	v42 =	vbroadcast v0, $0x3;
	v44 =	vbroadcast v0, $0x4  }
0x7a: {  	v4 =	vld [tilespmem:s19+$0xFFFFFFB0];
	v45 =	vbroadcast v0, $0x5;
	v11 =	vbroadcast v0, $0x6  }
0x7b: {  	v8 =	vld [tilespmem:s19+$0xFFFFFFD0];
	v48 =	vbroadcast v0, $0x7;
	v51 =	vbroadcast v0, $0x8  }
0x7c: {  	v43 =	vld [tilespmem:s19+$0xFFFFFFE0];
	v52 =	vbroadcast v0, $0x9;
	v1 =	vmul.f32 v1, v5  }
0x7d: {  	v47 =	vld [tilespmem:s19+$0x10];
	v55 =	vbroadcast v0, $0xA;
	v2 =	vmul.f32 v2, v6  }
0x7e: {  	v58 =	vld [tilespmem:s19+$0x60];
	v56 =	vbroadcast v0, $0xB;
	v3 =	vmul.f32 v3, v9;
	[tilespmem:s19+$0xFFFFFF80] =	vst v1  }
0x7f: {  	v59 =	vld [tilespmem:s19+$0x70];
	v60 =	vbroadcast v0, $0xC;
	v4 =	vmul.f32 v4, v42;
	[tilespmem:s19+$0xFFFFFF90] =	vst v2  }
0x80: {  	v7 =	vld [tilespmem:s19+$0xFFFFFFC0];
	v61 =	vbroadcast v0, $0xD;
	v5 =	vmul.f32 v8, v45;
	[tilespmem:s19+$0xFFFFFFA0] =	vst v3  }
0x81: {  	v10 =	vld [tilespmem:s19+$0xFFFFFFF0];
	v62 =	vbroadcast v0, $0xE;
	v6 =	vmul.f32 v43, v11;
	[tilespmem:s19+$0xFFFFFFB0] =	vst v4  }
0x82: {  	v49 =	vld [tilespmem:s19+$0x20];
	v0 =	vbroadcast v0, $0xF;
	v57 =	vmul.f32 v47, v52;
	[tilespmem:s19+$0xFFFFFFD0] =	vst v5  }
0x83: {  	v50 =	vld [tilespmem:s19+$0x30];
	v63 =	vmul.f32 v58, v62;
	[tilespmem:s19+$0xFFFFFFE0] =	vst v6  }
0x84: {  	v46 =	vld [tilespmem:s19+$0x0];
	v0 =	vmul.f32 v59, v0;
	[tilespmem:s19+$0x10] =	vst v57  }
0x85: {  	v54 =	vld [tilespmem:s19+$0x50];
	v1 =	vmul.f32 v7, v44;
	[tilespmem:s19+$0x60] =	vst v63  }
0x86: {  	v53 =	vld [tilespmem:s19+$0x40];
	v3 =	vmul.f32 v10, v48;
	[tilespmem:s19+$0x70] =	vst v0  }
0x87: {  	v7 =	vmul.f32 v49, v55;
	[tilespmem:s19+$0xFFFFFFC0] =	vst v1  }
0x88: {  	v2 =	vmul.f32 v50, v56;
	[tilespmem:s19+$0xFFFFFFF0] =	vst v3  }
0x89: {  	v1 =	vmul.f32 v46, v51;
	[tilespmem:s19+$0x20] =	vst v7  }
0x8a: {  	p0 =	slt.u32 s0, $0x32;
	v4 =	vmul.f32 v54, v61;
	[tilespmem:s19+$0x30] =	vst v2  }
.Ltmp2:
0x8b: {  	[tilespmem:s19+$0x0] =	vst v1;
	v1 =	vmul.f32 v53, v60;
	(pc) =	sbr.rel @p0 .LBB2_3-.Ltmp2, $4  }
0x8c: {  	[tilespmem:s19+$0x50] =	vst v4  }
0x8d: {  	s2 =	sadd.s32 s2, s31;
	[tilespmem:s19+$0x40] =	vst v1  }
0x8e: {  	[spmem:s3] =	stream.indirect.scatter.add.f32 [tilespmem:s18], [sflag:$0x3], $0x10, s2, s22, $0xb8;
	[tilespmem:$0x16980] =	vst v63  }
0x8f: {  	s18 =	smov.u32 s0  }
0x90: {  	p0 =	sne.s32 s28, $0x8  }
.Ltmp3:
0x91: {  	_ = 	snop;
	(pc) =	sbr.rel @p0 .LBB2_2-.Ltmp3, $4  }
0x92: {  	_ = 	snop  }
0x93: {  	_ =	swait.ge [sflag:s25], $0x800  }
0x94: {  	[sflag:s25] =	ssyncset.done $0x0  }
0x95: {  	[sflag:s25] =	ssyncadd.s32 $0xFFFFF800  }
0x96: {  	s26 =	sadd.s32 $0x1, s26  }
0x97: {  	p0 =	sne.s32 s26, s15  }
.Ltmp4:
0x98: {  	[bflag:$0x0] =	sbarrier.arrive $0xFFFF;
	(pc) =	sbr.rel @p0 .LBB2_1-.Ltmp4, $4  }
0x99: {  	[hbm:s14], [sflag:s9] =	dma.local [spmem:s16], $0x1870  }
0x9a: {  	_ =	swait.ge [sflag:s17], $0x1870  }
0x9b: {  	[sflag:s17] =	ssyncset.done $0x0  }
0x9c: {  	[sflag:s17] =	ssyncadd.s32 $0xFFFFE790  }
0x9d: {  	_ =	sfence.sel $0x180000  }
0x9e: {  	[bflag:$0x0] =	sbarrier.arrive $0xFFFF  }
0x9f: {  	_ =	strace $0x90000047  }
0xa0: {  	s0 =	stileid.u32;
	[bflag:$0x2] =	sbarrier.arrive $0xFFFF  }
0xa1: {  	p0 =	sne.s32 s0, $0x0;
	s0 =	rddreg [dreg:$0x3]  }
0xa2: {  	s0 =	sadd.s32 @!p0 $0x100000, s0  }
0xa3: {  	[sflag:s0] =	ssyncadd.tile.s32 @!p0 $0x1;
	_ =	shalt  }
.Lfunc_end2:
_tile_overlayer_lowered:
.L_overlay_start_2:
0xa4: {  	(tag) =	ssettag $0x2  }
0xa5: {  	s0 =	rddreg [dreg:$0x0];
	s2 =	stileid.u32  }
0xa6: {  	s1 =	rddreg [dreg:$0x1];
	p0 =	sne.s32 s2, $0x0  }
0xa7: {  	s3 =	rddreg [dreg:$0x2];
	[bflag:$0x3] =	sbarrier.arrive $0xFFFF;
	s2 =	simm.s32 @!p0 $0x1C04  }
0xa8: {  	[timem:s3], [sflag:s2] =	dma.local @!p0 [hbm:s0], s1  }
0xa9: {  	s0 =	simm.s32 @!p0 $0x4  }
0xaa: {  	_ =	swait.ge @!p0 [sflag:s0], s1  }
0xab: {  	s1 =	ssub.s32 @!p0 $0x0, s1;
	[sflag:s0] =	ssyncset.done @!p0 $0x0  }
0xac: {  	[sflag:s0] =	ssyncadd.s32 @!p0 s1  }
0xad: {  	[bflag:$0x3] =	sbarrier.arrive $0xFFFF  }
0xae: {  	_ =	shalt  }

</sc_bundles>
